<compile_context>
chip_gen: v7x
topology: tpu7x:2x2x1
jax: 0.10.2.dev20260603
libtpu: 0.0.44.dev20260713+nightly
codegen_flags: <defaults>
</compile_context>

<pallas_src>
import jax
import jax.numpy as jnp
from jax import lax
from jax.experimental import pallas as pl
from jax.experimental.pallas import tpu as pltpu
from jax.experimental.pallas import tpu_sc as plsc

B = 16384
EMB = 64
NUM_MOVIES = 1000000
NC = 2
NS = 16
L = 16
NW = NC * NS
BPW = B // NW
NCHUNK = 4
CROWS = BPW // NCHUNK
NGROUPS = BPW // L

MV_BLK = 26624
MV_GRID = -(-NUM_MOVIES // MV_BLK)

UOFF = 0
GOFF = 16
YOFF = 48
PROJ_N = 160

_SC_PARAMS = pltpu.CompilerParams(needs_layout_passes=False,
                                  use_tc_tiling_on_sc=False)
_SC_MESH = dict(core_axis_name="c", subcore_axis_name="s")


def _tc_mv_body(w_all, xt, smT, b, out, proj):
    out[...] = jnp.dot(w_all[0:1, 64:128], xt[...],
                       preferred_element_type=jnp.float32)

    @pl.when(pl.program_id(0) == 0)
    def _():
        proj[0:1, UOFF:UOFF + 5] = jnp.dot(
            w_all[0:1, 0:64], smT[:, 0:5],
            preferred_element_type=jnp.float32)
        proj[0:1, GOFF:GOFF + 31] = jnp.dot(
            w_all[0:1, 128:192], smT[:, 5:36],
            preferred_element_type=jnp.float32)
        proj[0:1, YOFF:YOFF + 101] = jnp.dot(
            w_all[0:1, 192:256], smT[:, 36:137],
            preferred_element_type=jnp.float32) + b[0, 0]


def _sc_body(mflat_hbm, uidx_hbm, gidx_hbm, yidx_hbm, proj_hbm,
             p_hbm, out_hbm, hi_v, mflat_v, uidx_v, gidx_v, yidx_v,
             proj_v, prows_v, out_v, msem, ssem, gsem0, gsem1, gsem2, gsem3):
    wid = lax.axis_index("s") * NC + lax.axis_index("c")
    base = wid * BPW

    mdesc = pltpu.async_copy(mflat_hbm.at[pl.ds(base, BPW)], mflat_v, msem)
    stage = [
        pltpu.async_copy(uidx_hbm.at[pl.ds(base, BPW)], uidx_v, ssem),
        pltpu.async_copy(gidx_hbm.at[pl.ds(base, BPW)], gidx_v, ssem),
        pltpu.async_copy(yidx_hbm.at[pl.ds(base, BPW)], yidx_v, ssem),
        pltpu.async_copy(proj_hbm, proj_v, ssem),
    ]
    mdesc.wait()

    for j in range(NCHUNK):
        for k in range(CROWS // L):
            hi_v[j, pl.ds(k * L, L)] = lax.shift_right_logical(
                mflat_v[pl.ds(j * CROWS + k * L, L)], 4)

    gsems = [gsem0, gsem1, gsem2, gsem3]
    descs = [
        pltpu.async_copy(p_hbm.at[hi_v.at[j]],
                         prows_v.at[pl.ds(j * CROWS, CROWS)], gsems[j])
        for j in range(NCHUNK)
    ]
    for d in stage:
        d.wait()

    riota = lax.iota(jnp.int32, L)

    def group(g, carry):
        row0 = g * L
        rvec = riota + row0
        lovec = mflat_v[pl.ds(row0, L)] & 15
        acc = plsc.load_gather(prows_v, [rvec, lovec])
        uvec = uidx_v[pl.ds(row0, L)] + UOFF
        gvec = gidx_v[pl.ds(row0, L)] + GOFF
        yvec = yidx_v[pl.ds(row0, L)] + YOFF
        acc = acc + plsc.load_gather(proj_v, [uvec])
        acc = acc + plsc.load_gather(proj_v, [gvec])
        acc = acc + plsc.load_gather(proj_v, [yvec])
        out_v[pl.ds(row0, L)] = acc
        return carry

    gpc = NGROUPS // NCHUNK
    for j in range(NCHUNK):
        descs[j].wait()
        lax.fori_loop(j * gpc, (j + 1) * gpc, group, 0)
    pltpu.sync_copy(out_v, out_hbm.at[pl.ds(base, BPW)])


def kernel(user, movie, genre, year, user_table, movie_table, genre_table,
           year_table, fc_w, fc_b):
    user = user.astype(jnp.int32)
    movie = movie.astype(jnp.int32)
    genre = genre.astype(jnp.int32)
    year = year.astype(jnp.int32)

    p, proj2 = pl.pallas_call(
        _tc_mv_body,
        grid=(MV_GRID,),
        in_specs=[
            pl.BlockSpec((1, 256), lambda i: (0, 0)),
            pl.BlockSpec((EMB, MV_BLK), lambda i: (0, i)),
            pl.BlockSpec((EMB, 137), lambda i: (0, 0)),
            pl.BlockSpec((1, 1), lambda i: (0, 0)),
        ],
        out_specs=[
            pl.BlockSpec((1, MV_BLK), lambda i: (0, i)),
            pl.BlockSpec((1, PROJ_N), lambda i: (0, 0)),
        ],
        out_shape=[
            jax.ShapeDtypeStruct((1, MV_GRID * MV_BLK), jnp.float32),
            jax.ShapeDtypeStruct((1, PROJ_N), jnp.float32),
        ],
    )(fc_w.reshape(1, 256), movie_table.T,
      jnp.concatenate([user_table.T, genre_table.T, year_table.T], axis=1),
      fc_b.reshape(1, 1))
    p16 = p.reshape(MV_GRID * MV_BLK // 16, 16)
    proj = proj2.reshape(PROJ_N)

    sc = pl.kernel(
        _sc_body,
        mesh=plsc.VectorSubcoreMesh(**_SC_MESH),
        compiler_params=_SC_PARAMS,
        out_type=jax.ShapeDtypeStruct((B,), jnp.float32),
        scratch_types=[
            pltpu.VMEM((NCHUNK, CROWS), jnp.int32),
            pltpu.VMEM((BPW,), jnp.int32),
            pltpu.VMEM((BPW,), jnp.int32),
            pltpu.VMEM((BPW,), jnp.int32),
            pltpu.VMEM((BPW,), jnp.int32),
            pltpu.VMEM((PROJ_N,), jnp.float32),
            pltpu.VMEM((BPW, L), jnp.float32),
            pltpu.VMEM((BPW,), jnp.float32),
            pltpu.SemaphoreType.DMA,
            pltpu.SemaphoreType.DMA,
            pltpu.SemaphoreType.DMA,
            pltpu.SemaphoreType.DMA,
            pltpu.SemaphoreType.DMA,
            pltpu.SemaphoreType.DMA,
        ],
    )
    out = sc(movie, user, genre, year, proj, p16)
    return out.reshape(B, 1)

# --- scband reference (transcript-rebuilt; emitter-appended) ---
"""Pipeline reference for scband-recommender-model-54924041781621 (READ-ONLY COPY).

The authoritative reference and input builder live on the scoring server;
editing this copy changes nothing except your own understanding.
"""

import jax, jax.numpy as jnp
import numpy as np

B = 16384
EMB = 64
NUM_USERS = 5
NUM_MOVIES = 1000000
NUM_GENRES = 31
NUM_YEARS = 101

def setup_inputs(seed: int = 0) -> dict:
    key = jax.random.key(seed)
    ks = jax.random.split(key, 10)
    user = jax.random.randint(ks[0], (B,), 0, NUM_USERS, dtype=jnp.int64 if jax.config.jax_enable_x64 else jnp.int32)
    movie = jax.random.randint(ks[1], (B,), 0, NUM_MOVIES, dtype=jnp.int64 if jax.config.jax_enable_x64 else jnp.int32)
    genre = jax.random.randint(ks[2], (B,), 0, NUM_GENRES, dtype=jnp.int64 if jax.config.jax_enable_x64 else jnp.int32)
    year = jax.random.randint(ks[3], (B,), 0, NUM_YEARS, dtype=jnp.int64 if jax.config.jax_enable_x64 else jnp.int32)
    user_table = jax.random.normal(ks[4], (NUM_USERS, EMB), dtype=jnp.float32)
    movie_table = jax.random.normal(ks[5], (NUM_MOVIES, EMB), dtype=jnp.float32)
    genre_table = jax.random.normal(ks[6], (NUM_GENRES, EMB), dtype=jnp.float32)
    year_table = jax.random.normal(ks[7], (NUM_YEARS, EMB), dtype=jnp.float32)
    fc_w = jax.random.normal(ks[8], (EMB * 4, 1), dtype=jnp.float32) * (1.0 / np.sqrt(EMB * 4))
    fc_b = jax.random.normal(ks[9], (1,), dtype=jnp.float32) * 0.01
    return {"user": user, "movie": movie, "genre": genre, "year": year,
            "user_table": user_table, "movie_table": movie_table,
            "genre_table": genre_table, "year_table": year_table,
            "fc_w": fc_w, "fc_b": fc_b}

def reference(user, movie, genre, year, user_table, movie_table, genre_table, year_table, fc_w, fc_b):
    user_embed = jnp.take(user_table, user, axis=0)
    movie_embed = jnp.take(movie_table, movie, axis=0)
    genre_embed = jnp.take(genre_table, genre, axis=0)
    year_embed = jnp.take(year_table, year, axis=0)
    x = jnp.concatenate([user_embed, movie_embed, genre_embed, year_embed], axis=1)
    x = x.reshape(x.shape[0], -1)
    return x @ fc_w + fc_b

if __name__ == "__main__":
    import jax
    _d = setup_inputs()
    print(jax.jit(kernel)(*tuple(_d.values())))

</pallas_src>

<mosaic_0001>
#map = affine_map<(d0, d1) -> (0)>
#map1 = affine_map<(d0, d1) -> (0, 0)>
module attributes {stable_mosaic.version = 14 : i64} {
  func.func @_sc_body(%arg0: i32, %arg1: i32, %arg2: memref<16384xi32, #tpu.memory_space<hbm>>, %arg3: memref<16384xi32, #tpu.memory_space<hbm>>, %arg4: memref<16384xi32, #tpu.memory_space<hbm>>, %arg5: memref<16384xi32, #tpu.memory_space<hbm>>, %arg6: memref<160xf32, #tpu.memory_space<hbm>>, %arg7: memref<63232x16xf32, #tpu.memory_space<hbm>>, %arg8: memref<16384xf32, #tpu.memory_space<hbm>>, %arg9: memref<4x128xi32, #tpu.memory_space<vmem>>, %arg10: memref<512xi32, #tpu.memory_space<vmem>>, %arg11: memref<512xi32, #tpu.memory_space<vmem>>, %arg12: memref<512xi32, #tpu.memory_space<vmem>>, %arg13: memref<512xi32, #tpu.memory_space<vmem>>, %arg14: memref<160xf32, #tpu.memory_space<vmem>>, %arg15: memref<512x16xf32, #tpu.memory_space<vmem>>, %arg16: memref<512xf32, #tpu.memory_space<vmem>>, %arg17: memref<!tpu.dma_semaphore, #tpu.memory_space<semaphore_mem>>, %arg18: memref<!tpu.dma_semaphore, #tpu.memory_space<semaphore_mem>>, %arg19: memref<!tpu.dma_semaphore, #tpu.memory_space<semaphore_mem>>, %arg20: memref<!tpu.dma_semaphore, #tpu.memory_space<semaphore_mem>>, %arg21: memref<!tpu.dma_semaphore, #tpu.memory_space<semaphore_mem>>, %arg22: memref<!tpu.dma_semaphore, #tpu.memory_space<semaphore_mem>>) attributes {dimension_semantics = [#tpu.dimension_semantics<core_parallel>, #tpu.dimension_semantics<subcore_parallel>], iteration_bounds = array<i64: 2, 16>, scalar_prefetch = 0 : i64, scratch_operands = 14 : i64, tpu.core_type = #tpu.core_type<sc_vector_subcore>, window_params = [{transform_indices = #map}, {transform_indices = #map}, {transform_indices = #map}, {transform_indices = #map}, {transform_indices = #map}, {transform_indices = #map1}, {transform_indices = #map}]} {
    %mul3A = arith.constant 2 : i32
    %mul3A_0 = arith.muli %arg1, %mul3A : i32
    %add3A = arith.addi %mul3A_0, %arg0 : i32
    %mul3A_1 = arith.constant 512 : i32
    %mul3A_2 = arith.muli %add3A, %mul3A_1 : i32
    %dma_start3A = tpu.memref_slice %arg2[%mul3A_2] : memref<16384xi32, #tpu.memory_space<hbm>> -> memref<512xi32, #tpu.memory_space<hbm>>
    %dma_start3A_3 = tpu.memref_slice %arg2[%mul3A_2] : memref<16384xi32, #tpu.memory_space<hbm>> -> memref<512xi32, #tpu.memory_space<hbm>>
    tpu.enqueue_dma source(%dma_start3A_3 : memref<512xi32, #tpu.memory_space<hbm>>) target(%arg10 : memref<512xi32, #tpu.memory_space<vmem>>) target_semaphore(%arg17 : memref<!tpu.dma_semaphore, #tpu.memory_space<semaphore_mem>>)
    %dma_start3A_4 = tpu.memref_slice %arg3[%mul3A_2] : memref<16384xi32, #tpu.memory_space<hbm>> -> memref<512xi32, #tpu.memory_space<hbm>>
    %dma_start3A_5 = tpu.memref_slice %arg3[%mul3A_2] : memref<16384xi32, #tpu.memory_space<hbm>> -> memref<512xi32, #tpu.memory_space<hbm>>
    tpu.enqueue_dma source(%dma_start3A_5 : memref<512xi32, #tpu.memory_space<hbm>>) target(%arg11 : memref<512xi32, #tpu.memory_space<vmem>>) target_semaphore(%arg18 : memref<!tpu.dma_semaphore, #tpu.memory_space<semaphore_mem>>)
    %dma_start3A_6 = tpu.memref_slice %arg4[%mul3A_2] : memref<16384xi32, #tpu.memory_space<hbm>> -> memref<512xi32, #tpu.memory_space<hbm>>
    %dma_start3A_7 = tpu.memref_slice %arg4[%mul3A_2] : memref<16384xi32, #tpu.memory_space<hbm>> -> memref<512xi32, #tpu.memory_space<hbm>>
    tpu.enqueue_dma source(%dma_start3A_7 : memref<512xi32, #tpu.memory_space<hbm>>) target(%arg12 : memref<512xi32, #tpu.memory_space<vmem>>) target_semaphore(%arg18 : memref<!tpu.dma_semaphore, #tpu.memory_space<semaphore_mem>>)
    %dma_start3A_8 = tpu.memref_slice %arg5[%mul3A_2] : memref<16384xi32, #tpu.memory_space<hbm>> -> memref<512xi32, #tpu.memory_space<hbm>>
    %dma_start3A_9 = tpu.memref_slice %arg5[%mul3A_2] : memref<16384xi32, #tpu.memory_space<hbm>> -> memref<512xi32, #tpu.memory_space<hbm>>
    tpu.enqueue_dma source(%dma_start3A_9 : memref<512xi32, #tpu.memory_space<hbm>>) target(%arg13 : memref<512xi32, #tpu.memory_space<vmem>>) target_semaphore(%arg18 : memref<!tpu.dma_semaphore, #tpu.memory_space<semaphore_mem>>)
    tpu.enqueue_dma source(%arg6 : memref<160xf32, #tpu.memory_space<hbm>>) target(%arg14 : memref<160xf32, #tpu.memory_space<vmem>>) target_semaphore(%arg18 : memref<!tpu.dma_semaphore, #tpu.memory_space<semaphore_mem>>)
    %dma_wait3A = tpu.memref_slice %arg2[%mul3A_2] : memref<16384xi32, #tpu.memory_space<hbm>> -> memref<512xi32, #tpu.memory_space<hbm>>
    %dma_wait3A_10 = tpu.memref_slice %arg2[%mul3A_2] : memref<16384xi32, #tpu.memory_space<hbm>> -> memref<512xi32, #tpu.memory_space<hbm>>
    tpu.wait_dma2 semaphore(%arg17 : memref<!tpu.dma_semaphore, #tpu.memory_space<semaphore_mem>>) src(%dma_wait3A_10 : memref<512xi32, #tpu.memory_space<hbm>>) dst(%arg10 : memref<512xi32, #tpu.memory_space<vmem>>)
    %get3A = arith.constant 0 : index
    %get3A_11 = tpu.vector_load %arg10[%get3A] {strides = array<i32>} : memref<512xi32, #tpu.memory_space<vmem>>, vector<16xi32>,
    %shift_right_logical3A = arith.constant 4 : i32
    %shift_right_logical3A_12 = vector.broadcast %shift_right_logical3A : i32 to vector<16xi32>
    %shift_right_logical3A_13 = arith.shrui %get3A_11, %shift_right_logical3A_12 : vector<16xi32>
    %swap3A = arith.constant 0 : i32
    %swap3A_14 = arith.index_cast %swap3A : i32 to index
    %swap3A_15 = arith.constant 0 : index
    %swap3A_16 = tpu.vector_load %arg9[%swap3A_14, %swap3A_15] {strides = array<i32>} : memref<4x128xi32, #tpu.memory_space<vmem>>, vector<16xi32>,
    tpu.vector_store %arg9[%swap3A_14, %swap3A_15], %shift_right_logical3A_13 {strides = array<i32>} : memref<4x128xi32, #tpu.memory_space<vmem>>, vector<16xi32>,
    %get3A_17 = arith.constant 16 : index
    %get3A_18 = tpu.vector_load %arg10[%get3A_17] {strides = array<i32>} : memref<512xi32, #tpu.memory_space<vmem>>, vector<16xi32>,
    %shift_right_logical3A_19 = arith.constant 4 : i32
    %shift_right_logical3A_20 = vector.broadcast %shift_right_logical3A_19 : i32 to vector<16xi32>
    %shift_right_logical3A_21 = arith.shrui %get3A_18, %shift_right_logical3A_20 : vector<16xi32>
    %swap3A_22 = arith.constant 0 : i32
    %swap3A_23 = arith.index_cast %swap3A_22 : i32 to index
    %swap3A_24 = arith.constant 16 : index
    %swap3A_25 = tpu.vector_load %arg9[%swap3A_23, %swap3A_24] {strides = array<i32>} : memref<4x128xi32, #tpu.memory_space<vmem>>, vector<16xi32>,
    tpu.vector_store %arg9[%swap3A_23, %swap3A_24], %shift_right_logical3A_21 {strides = array<i32>} : memref<4x128xi32, #tpu.memory_space<vmem>>, vector<16xi32>,
    %get3A_26 = arith.constant 32 : index
    %get3A_27 = tpu.vector_load %arg10[%get3A_26] {strides = array<i32>} : memref<512xi32, #tpu.memory_space<vmem>>, vector<16xi32>,
    %shift_right_logical3A_28 = arith.constant 4 : i32
    %shift_right_logical3A_29 = vector.broadcast %shift_right_logical3A_28 : i32 to vector<16xi32>
    %shift_right_logical3A_30 = arith.shrui %get3A_27, %shift_right_logical3A_29 : vector<16xi32>
    %swap3A_31 = arith.constant 0 : i32
    %swap3A_32 = arith.index_cast %swap3A_31 : i32 to index
    %swap3A_33 = arith.constant 32 : index
    %swap3A_34 = tpu.vector_load %arg9[%swap3A_32, %swap3A_33] {strides = array<i32>} : memref<4x128xi32, #tpu.memory_space<vmem>>, vector<16xi32>,
    tpu.vector_store %arg9[%swap3A_32, %swap3A_33], %shift_right_logical3A_30 {strides = array<i32>} : memref<4x128xi32, #tpu.memory_space<vmem>>, vector<16xi32>,
    %get3A_35 = arith.constant 48 : index
    %get3A_36 = tpu.vector_load %arg10[%get3A_35] {strides = array<i32>} : memref<512xi32, #tpu.memory_space<vmem>>, vector<16xi32>,
    %shift_right_logical3A_37 = arith.constant 4 : i32
    %shift_right_logical3A_38 = vector.broadcast %shift_right_logical3A_37 : i32 to vector<16xi32>
    %shift_right_logical3A_39 = arith.shrui %get3A_36, %shift_right_logical3A_38 : vector<16xi32>
    %swap3A_40 = arith.constant 0 : i32
    %swap3A_41 = arith.index_cast %swap3A_40 : i32 to index
    %swap3A_42 = arith.constant 48 : index
    %swap3A_43 = tpu.vector_load %arg9[%swap3A_41, %swap3A_42] {strides = array<i32>} : memref<4x128xi32, #tpu.memory_space<vmem>>, vector<16xi32>,
    tpu.vector_store %arg9[%swap3A_41, %swap3A_42], %shift_right_logical3A_39 {strides = array<i32>} : memref<4x128xi32, #tpu.memory_space<vmem>>, vector<16xi32>,
    %get3A_44 = arith.constant 64 : index
    %get3A_45 = tpu.vector_load %arg10[%get3A_44] {strides = array<i32>} : memref<512xi32, #tpu.memory_space<vmem>>, vector<16xi32>,
    %shift_right_logical3A_46 = arith.constant 4 : i32
    %shift_right_logical3A_47 = vector.broadcast %shift_right_logical3A_46 : i32 to vector<16xi32>
    %shift_right_logical3A_48 = arith.shrui %get3A_45, %shift_right_logical3A_47 : vector<16xi32>
    %swap3A_49 = arith.constant 0 : i32
    %swap3A_50 = arith.index_cast %swap3A_49 : i32 to index
    %swap3A_51 = arith.constant 64 : index
    %swap3A_52 = tpu.vector_load %arg9[%swap3A_50, %swap3A_51] {strides = array<i32>} : memref<4x128xi32, #tpu.memory_space<vmem>>, vector<16xi32>,
    tpu.vector_store %arg9[%swap3A_50, %swap3A_51], %shift_right_logical3A_48 {strides = array<i32>} : memref<4x128xi32, #tpu.memory_space<vmem>>, vector<16xi32>,
    %get3A_53 = arith.constant 80 : index
    %get3A_54 = tpu.vector_load %arg10[%get3A_53] {strides = array<i32>} : memref<512xi32, #tpu.memory_space<vmem>>, vector<16xi32>,
    %shift_right_logical3A_55 = arith.constant 4 : i32
    %shift_right_logical3A_56 = vector.broadcast %shift_right_logical3A_55 : i32 to vector<16xi32>
    %shift_right_logical3A_57 = arith.shrui %get3A_54, %shift_right_logical3A_56 : vector<16xi32>
    %swap3A_58 = arith.constant 0 : i32
    %swap3A_59 = arith.index_cast %swap3A_58 : i32 to index
    %swap3A_60 = arith.constant 80 : index
    %swap3A_61 = tpu.vector_load %arg9[%swap3A_59, %swap3A_60] {strides = array<i32>} : memref<4x128xi32, #tpu.memory_space<vmem>>, vector<16xi32>,
    tpu.vector_store %arg9[%swap3A_59, %swap3A_60], %shift_right_logical3A_57 {strides = array<i32>} : memref<4x128xi32, #tpu.memory_space<vmem>>, vector<16xi32>,
    %get3A_62 = arith.constant 96 : index
    %get3A_63 = tpu.vector_load %arg10[%get3A_62] {strides = array<i32>} : memref<512xi32, #tpu.memory_space<vmem>>, vector<16xi32>,
    %shift_right_logical3A_64 = arith.constant 4 : i32
    %shift_right_logical3A_65 = vector.broadcast %shift_right_logical3A_64 : i32 to vector<16xi32>
    %shift_right_logical3A_66 = arith.shrui %get3A_63, %shift_right_logical3A_65 : vector<16xi32>
    %swap3A_67 = arith.constant 0 : i32
    %swap3A_68 = arith.index_cast %swap3A_67 : i32 to index
    %swap3A_69 = arith.constant 96 : index
    %swap3A_70 = tpu.vector_load %arg9[%swap3A_68, %swap3A_69] {strides = array<i32>} : memref<4x128xi32, #tpu.memory_space<vmem>>, vector<16xi32>,
    tpu.vector_store %arg9[%swap3A_68, %swap3A_69], %shift_right_logical3A_66 {strides = array<i32>} : memref<4x128xi32, #tpu.memory_space<vmem>>, vector<16xi32>,
    %get3A_71 = arith.constant 112 : index
    %get3A_72 = tpu.vector_load %arg10[%get3A_71] {strides = array<i32>} : memref<512xi32, #tpu.memory_space<vmem>>, vector<16xi32>,
    %shift_right_logical3A_73 = arith.constant 4 : i32
    %shift_right_logical3A_74 = vector.broadcast %shift_right_logical3A_73 : i32 to vector<16xi32>
    %shift_right_logical3A_75 = arith.shrui %get3A_72, %shift_right_logical3A_74 : vector<16xi32>
    %swap3A_76 = arith.constant 0 : i32
    %swap3A_77 = arith.index_cast %swap3A_76 : i32 to index
    %swap3A_78 = arith.constant 112 : index
    %swap3A_79 = tpu.vector_load %arg9[%swap3A_77, %swap3A_78] {strides = array<i32>} : memref<4x128xi32, #tpu.memory_space<vmem>>, vector<16xi32>,
    tpu.vector_store %arg9[%swap3A_77, %swap3A_78], %shift_right_logical3A_75 {strides = array<i32>} : memref<4x128xi32, #tpu.memory_space<vmem>>, vector<16xi32>,
    %get3A_80 = arith.constant 128 : index
    %get3A_81 = tpu.vector_load %arg10[%get3A_80] {strides = array<i32>} : memref<512xi32, #tpu.memory_space<vmem>>, vector<16xi32>,
    %shift_right_logical3A_82 = arith.constant 4 : i32
    %shift_right_logical3A_83 = vector.broadcast %shift_right_logical3A_82 : i32 to vector<16xi32>
    %shift_right_logical3A_84 = arith.shrui %get3A_81, %shift_right_logical3A_83 : vector<16xi32>
    %swap3A_85 = arith.constant 1 : i32
    %swap3A_86 = arith.index_cast %swap3A_85 : i32 to index
    %swap3A_87 = arith.constant 0 : index
    %swap3A_88 = tpu.vector_load %arg9[%swap3A_86, %swap3A_87] {strides = array<i32>} : memref<4x128xi32, #tpu.memory_space<vmem>>, vector<16xi32>,
    tpu.vector_store %arg9[%swap3A_86, %swap3A_87], %shift_right_logical3A_84 {strides = array<i32>} : memref<4x128xi32, #tpu.memory_space<vmem>>, vector<16xi32>,
    %get3A_89 = arith.constant 144 : index
    %get3A_90 = tpu.vector_load %arg10[%get3A_89] {strides = array<i32>} : memref<512xi32, #tpu.memory_space<vmem>>, vector<16xi32>,
    %shift_right_logical3A_91 = arith.constant 4 : i32
    %shift_right_logical3A_92 = vector.broadcast %shift_right_logical3A_91 : i32 to vector<16xi32>
    %shift_right_logical3A_93 = arith.shrui %get3A_90, %shift_right_logical3A_92 : vector<16xi32>
    %swap3A_94 = arith.constant 1 : i32
    %swap3A_95 = arith.index_cast %swap3A_94 : i32 to index
    %swap3A_96 = arith.constant 16 : index
    %swap3A_97 = tpu.vector_load %arg9[%swap3A_95, %swap3A_96] {strides = array<i32>} : memref<4x128xi32, #tpu.memory_space<vmem>>, vector<16xi32>,
    tpu.vector_store %arg9[%swap3A_95, %swap3A_96], %shift_right_logical3A_93 {strides = array<i32>} : memref<4x128xi32, #tpu.memory_space<vmem>>, vector<16xi32>,
    %get3A_98 = arith.constant 160 : index
    %get3A_99 = tpu.vector_load %arg10[%get3A_98] {strides = array<i32>} : memref<512xi32, #tpu.memory_space<vmem>>, vector<16xi32>,
    %shift_right_logical3A_100 = arith.constant 4 : i32
    %shift_right_logical3A_101 = vector.broadcast %shift_right_logical3A_100 : i32 to vector<16xi32>
    %shift_right_logical3A_102 = arith.shrui %get3A_99, %shift_right_logical3A_101 : vector<16xi32>
    %swap3A_103 = arith.constant 1 : i32
    %swap3A_104 = arith.index_cast %swap3A_103 : i32 to index
    %swap3A_105 = arith.constant 32 : index
    %swap3A_106 = tpu.vector_load %arg9[%swap3A_104, %swap3A_105] {strides = array<i32>} : memref<4x128xi32, #tpu.memory_space<vmem>>, vector<16xi32>,
    tpu.vector_store %arg9[%swap3A_104, %swap3A_105], %shift_right_logical3A_102 {strides = array<i32>} : memref<4x128xi32, #tpu.memory_space<vmem>>, vector<16xi32>,
    %get3A_107 = arith.constant 176 : index
    %get3A_108 = tpu.vector_load %arg10[%get3A_107] {strides = array<i32>} : memref<512xi32, #tpu.memory_space<vmem>>, vector<16xi32>,
    %shift_right_logical3A_109 = arith.constant 4 : i32
    %shift_right_logical3A_110 = vector.broadcast %shift_right_logical3A_109 : i32 to vector<16xi32>
    %shift_right_logical3A_111 = arith.shrui %get3A_108, %shift_right_logical3A_110 : vector<16xi32>
    %swap3A_112 = arith.constant 1 : i32
    %swap3A_113 = arith.index_cast %swap3A_112 : i32 to index
    %swap3A_114 = arith.constant 48 : index
    %swap3A_115 = tpu.vector_load %arg9[%swap3A_113, %swap3A_114] {strides = array<i32>} : memref<4x128xi32, #tpu.memory_space<vmem>>, vector<16xi32>,
    tpu.vector_store %arg9[%swap3A_113, %swap3A_114], %shift_right_logical3A_111 {strides = array<i32>} : memref<4x128xi32, #tpu.memory_space<vmem>>, vector<16xi32>,
    %get3A_116 = arith.constant 192 : index
    %get3A_117 = tpu.vector_load %arg10[%get3A_116] {strides = array<i32>} : memref<512xi32, #tpu.memory_space<vmem>>, vector<16xi32>,
    %shift_right_logical3A_118 = arith.constant 4 : i32
    %shift_right_logical3A_119 = vector.broadcast %shift_right_logical3A_118 : i32 to vector<16xi32>
    %shift_right_logical3A_120 = arith.shrui %get3A_117, %shift_right_logical3A_119 : vector<16xi32>
    %swap3A_121 = arith.constant 1 : i32
    %swap3A_122 = arith.index_cast %swap3A_121 : i32 to index
    %swap3A_123 = arith.constant 64 : index
    %swap3A_124 = tpu.vector_load %arg9[%swap3A_122, %swap3A_123] {strides = array<i32>} : memref<4x128xi32, #tpu.memory_space<vmem>>, vector<16xi32>,
    tpu.vector_store %arg9[%swap3A_122, %swap3A_123], %shift_right_logical3A_120 {strides = array<i32>} : memref<4x128xi32, #tpu.memory_space<vmem>>, vector<16xi32>,
    %get3A_125 = arith.constant 208 : index
    %get3A_126 = tpu.vector_load %arg10[%get3A_125] {strides = array<i32>} : memref<512xi32, #tpu.memory_space<vmem>>, vector<16xi32>,
    %shift_right_logical3A_127 = arith.constant 4 : i32
    %shift_right_logical3A_128 = vector.broadcast %shift_right_logical3A_127 : i32 to vector<16xi32>
    %shift_right_logical3A_129 = arith.shrui %get3A_126, %shift_right_logical3A_128 : vector<16xi32>
    %swap3A_130 = arith.constant 1 : i32
    %swap3A_131 = arith.index_cast %swap3A_130 : i32 to index
    %swap3A_132 = arith.constant 80 : index
    %swap3A_133 = tpu.vector_load %arg9[%swap3A_131, %swap3A_132] {strides = array<i32>} : memref<4x128xi32, #tpu.memory_space<vmem>>, vector<16xi32>,
    tpu.vector_store %arg9[%swap3A_131, %swap3A_132], %shift_right_logical3A_129 {strides = array<i32>} : memref<4x128xi32, #tpu.memory_space<vmem>>, vector<16xi32>,
    %get3A_134 = arith.constant 224 : index
    %get3A_135 = tpu.vector_load %arg10[%get3A_134] {strides = array<i32>} : memref<512xi32, #tpu.memory_space<vmem>>, vector<16xi32>,
    %shift_right_logical3A_136 = arith.constant 4 : i32
    %shift_right_logical3A_137 = vector.broadcast %shift_right_logical3A_136 : i32 to vector<16xi32>
    %shift_right_logical3A_138 = arith.shrui %get3A_135, %shift_right_logical3A_137 : vector<16xi32>
    %swap3A_139 = arith.constant 1 : i32
    %swap3A_140 = arith.index_cast %swap3A_139 : i32 to index
    %swap3A_141 = arith.constant 96 : index
    %swap3A_142 = tpu.vector_load %arg9[%swap3A_140, %swap3A_141] {strides = array<i32>} : memref<4x128xi32, #tpu.memory_space<vmem>>, vector<16xi32>,
    tpu.vector_store %arg9[%swap3A_140, %swap3A_141], %shift_right_logical3A_138 {strides = array<i32>} : memref<4x128xi32, #tpu.memory_space<vmem>>, vector<16xi32>,
    %get3A_143 = arith.constant 240 : index
    %get3A_144 = tpu.vector_load %arg10[%get3A_143] {strides = array<i32>} : memref<512xi32, #tpu.memory_space<vmem>>, vector<16xi32>,
    %shift_right_logical3A_145 = arith.constant 4 : i32
    %shift_right_logical3A_146 = vector.broadcast %shift_right_logical3A_145 : i32 to vector<16xi32>
    %shift_right_logical3A_147 = arith.shrui %get3A_144, %shift_right_logical3A_146 : vector<16xi32>
    %swap3A_148 = arith.constant 1 : i32
    %swap3A_149 = arith.index_cast %swap3A_148 : i32 to index
    %swap3A_150 = arith.constant 112 : index
    %swap3A_151 = tpu.vector_load %arg9[%swap3A_149, %swap3A_150] {strides = array<i32>} : memref<4x128xi32, #tpu.memory_space<vmem>>, vector<16xi32>,
    tpu.vector_store %arg9[%swap3A_149, %swap3A_150], %shift_right_logical3A_147 {strides = array<i32>} : memref<4x128xi32, #tpu.memory_space<vmem>>, vector<16xi32>,
    %get3A_152 = arith.constant 256 : index
    %get3A_153 = tpu.vector_load %arg10[%get3A_152] {strides = array<i32>} : memref<512xi32, #tpu.memory_space<vmem>>, vector<16xi32>,
    %shift_right_logical3A_154 = arith.constant 4 : i32
    %shift_right_logical3A_155 = vector.broadcast %shift_right_logical3A_154 : i32 to vector<16xi32>
    %shift_right_logical3A_156 = arith.shrui %get3A_153, %shift_right_logical3A_155 : vector<16xi32>
    %swap3A_157 = arith.constant 2 : i32
    %swap3A_158 = arith.index_cast %swap3A_157 : i32 to index
    %swap3A_159 = arith.constant 0 : index
    %swap3A_160 = tpu.vector_load %arg9[%swap3A_158, %swap3A_159] {strides = array<i32>} : memref<4x128xi32, #tpu.memory_space<vmem>>, vector<16xi32>,
    tpu.vector_store %arg9[%swap3A_158, %swap3A_159], %shift_right_logical3A_156 {strides = array<i32>} : memref<4x128xi32, #tpu.memory_space<vmem>>, vector<16xi32>,
    %get3A_161 = arith.constant 272 : index
    %get3A_162 = tpu.vector_load %arg10[%get3A_161] {strides = array<i32>} : memref<512xi32, #tpu.memory_space<vmem>>, vector<16xi32>,
    %shift_right_logical3A_163 = arith.constant 4 : i32
    %shift_right_logical3A_164 = vector.broadcast %shift_right_logical3A_163 : i32 to vector<16xi32>
    %shift_right_logical3A_165 = arith.shrui %get3A_162, %shift_right_logical3A_164 : vector<16xi32>
    %swap3A_166 = arith.constant 2 : i32
    %swap3A_167 = arith.index_cast %swap3A_166 : i32 to index
    %swap3A_168 = arith.constant 16 : index
    %swap3A_169 = tpu.vector_load %arg9[%swap3A_167, %swap3A_168] {strides = array<i32>} : memref<4x128xi32, #tpu.memory_space<vmem>>, vector<16xi32>,
    tpu.vector_store %arg9[%swap3A_167, %swap3A_168], %shift_right_logical3A_165 {strides = array<i32>} : memref<4x128xi32, #tpu.memory_space<vmem>>, vector<16xi32>,
    %get3A_170 = arith.constant 288 : index
    %get3A_171 = tpu.vector_load %arg10[%get3A_170] {strides = array<i32>} : memref<512xi32, #tpu.memory_space<vmem>>, vector<16xi32>,
    %shift_right_logical3A_172 = arith.constant 4 : i32
    %shift_right_logical3A_173 = vector.broadcast %shift_right_logical3A_172 : i32 to vector<16xi32>
    %shift_right_logical3A_174 = arith.shrui %get3A_171, %shift_right_logical3A_173 : vector<16xi32>
    %swap3A_175 = arith.constant 2 : i32
    %swap3A_176 = arith.index_cast %swap3A_175 : i32 to index
    %swap3A_177 = arith.constant 32 : index
    %swap3A_178 = tpu.vector_load %arg9[%swap3A_176, %swap3A_177] {strides = array<i32>} : memref<4x128xi32, #tpu.memory_space<vmem>>, vector<16xi32>,
    tpu.vector_store %arg9[%swap3A_176, %swap3A_177], %shift_right_logical3A_174 {strides = array<i32>} : memref<4x128xi32, #tpu.memory_space<vmem>>, vector<16xi32>,
    %get3A_179 = arith.constant 304 : index
    %get3A_180 = tpu.vector_load %arg10[%get3A_179] {strides = array<i32>} : memref<512xi32, #tpu.memory_space<vmem>>, vector<16xi32>,
    %shift_right_logical3A_181 = arith.constant 4 : i32
    %shift_right_logical3A_182 = vector.broadcast %shift_right_logical3A_181 : i32 to vector<16xi32>
    %shift_right_logical3A_183 = arith.shrui %get3A_180, %shift_right_logical3A_182 : vector<16xi32>
    %swap3A_184 = arith.constant 2 : i32
    %swap3A_185 = arith.index_cast %swap3A_184 : i32 to index
    %swap3A_186 = arith.constant 48 : index
    %swap3A_187 = tpu.vector_load %arg9[%swap3A_185, %swap3A_186] {strides = array<i32>} : memref<4x128xi32, #tpu.memory_space<vmem>>, vector<16xi32>,
    tpu.vector_store %arg9[%swap3A_185, %swap3A_186], %shift_right_logical3A_183 {strides = array<i32>} : memref<4x128xi32, #tpu.memory_space<vmem>>, vector<16xi32>,
    %get3A_188 = arith.constant 320 : index
    %get3A_189 = tpu.vector_load %arg10[%get3A_188] {strides = array<i32>} : memref<512xi32, #tpu.memory_space<vmem>>, vector<16xi32>,
    %shift_right_logical3A_190 = arith.constant 4 : i32
    %shift_right_logical3A_191 = vector.broadcast %shift_right_logical3A_190 : i32 to vector<16xi32>
    %shift_right_logical3A_192 = arith.shrui %get3A_189, %shift_right_logical3A_191 : vector<16xi32>
    %swap3A_193 = arith.constant 2 : i32
    %swap3A_194 = arith.index_cast %swap3A_193 : i32 to index
    %swap3A_195 = arith.constant 64 : index
    %swap3A_196 = tpu.vector_load %arg9[%swap3A_194, %swap3A_195] {strides = array<i32>} : memref<4x128xi32, #tpu.memory_space<vmem>>, vector<16xi32>,
    tpu.vector_store %arg9[%swap3A_194, %swap3A_195], %shift_right_logical3A_192 {strides = array<i32>} : memref<4x128xi32, #tpu.memory_space<vmem>>, vector<16xi32>,
    %get3A_197 = arith.constant 336 : index
    %get3A_198 = tpu.vector_load %arg10[%get3A_197] {strides = array<i32>} : memref<512xi32, #tpu.memory_space<vmem>>, vector<16xi32>,
    %shift_right_logical3A_199 = arith.constant 4 : i32
    %shift_right_logical3A_200 = vector.broadcast %shift_right_logical3A_199 : i32 to vector<16xi32>
    %shift_right_logical3A_201 = arith.shrui %get3A_198, %shift_right_logical3A_200 : vector<16xi32>
    %swap3A_202 = arith.constant 2 : i32
    %swap3A_203 = arith.index_cast %swap3A_202 : i32 to index
    %swap3A_204 = arith.constant 80 : index
    %swap3A_205 = tpu.vector_load %arg9[%swap3A_203, %swap3A_204] {strides = array<i32>} : memref<4x128xi32, #tpu.memory_space<vmem>>, vector<16xi32>,
    tpu.vector_store %arg9[%swap3A_203, %swap3A_204], %shift_right_logical3A_201 {strides = array<i32>} : memref<4x128xi32, #tpu.memory_space<vmem>>, vector<16xi32>,
    %get3A_206 = arith.constant 352 : index
    %get3A_207 = tpu.vector_load %arg10[%get3A_206] {strides = array<i32>} : memref<512xi32, #tpu.memory_space<vmem>>, vector<16xi32>,
    %shift_right_logical3A_208 = arith.constant 4 : i32
    %shift_right_logical3A_209 = vector.broadcast %shift_right_logical3A_208 : i32 to vector<16xi32>
    %shift_right_logical3A_210 = arith.shrui %get3A_207, %shift_right_logical3A_209 : vector<16xi32>
    %swap3A_211 = arith.constant 2 : i32
    %swap3A_212 = arith.index_cast %swap3A_211 : i32 to index
    %swap3A_213 = arith.constant 96 : index
    %swap3A_214 = tpu.vector_load %arg9[%swap3A_212, %swap3A_213] {strides = array<i32>} : memref<4x128xi32, #tpu.memory_space<vmem>>, vector<16xi32>,
    tpu.vector_store %arg9[%swap3A_212, %swap3A_213], %shift_right_logical3A_210 {strides = array<i32>} : memref<4x128xi32, #tpu.memory_space<vmem>>, vector<16xi32>,
    %get3A_215 = arith.constant 368 : index
    %get3A_216 = tpu.vector_load %arg10[%get3A_215] {strides = array<i32>} : memref<512xi32, #tpu.memory_space<vmem>>, vector<16xi32>,
    %shift_right_logical3A_217 = arith.constant 4 : i32
    %shift_right_logical3A_218 = vector.broadcast %shift_right_logical3A_217 : i32 to vector<16xi32>
    %shift_right_logical3A_219 = arith.shrui %get3A_216, %shift_right_logical3A_218 : vector<16xi32>
    %swap3A_220 = arith.constant 2 : i32
    %swap3A_221 = arith.index_cast %swap3A_220 : i32 to index
    %swap3A_222 = arith.constant 112 : index
    %swap3A_223 = tpu.vector_load %arg9[%swap3A_221, %swap3A_222] {strides = array<i32>} : memref<4x128xi32, #tpu.memory_space<vmem>>, vector<16xi32>,
    tpu.vector_store %arg9[%swap3A_221, %swap3A_222], %shift_right_logical3A_219 {strides = array<i32>} : memref<4x128xi32, #tpu.memory_space<vmem>>, vector<16xi32>,
    %get3A_224 = arith.constant 384 : index
    %get3A_225 = tpu.vector_load %arg10[%get3A_224] {strides = array<i32>} : memref<512xi32, #tpu.memory_space<vmem>>, vector<16xi32>,
    %shift_right_logical3A_226 = arith.constant 4 : i32
    %shift_right_logical3A_227 = vector.broadcast %shift_right_logical3A_226 : i32 to vector<16xi32>
    %shift_right_logical3A_228 = arith.shrui %get3A_225, %shift_right_logical3A_227 : vector<16xi32>
    %swap3A_229 = arith.constant 3 : i32
    %swap3A_230 = arith.index_cast %swap3A_229 : i32 to index
    %swap3A_231 = arith.constant 0 : index
    %swap3A_232 = tpu.vector_load %arg9[%swap3A_230, %swap3A_231] {strides = array<i32>} : memref<4x128xi32, #tpu.memory_space<vmem>>, vector<16xi32>,
    tpu.vector_store %arg9[%swap3A_230, %swap3A_231], %shift_right_logical3A_228 {strides = array<i32>} : memref<4x128xi32, #tpu.memory_space<vmem>>, vector<16xi32>,
    %get3A_233 = arith.constant 400 : index
    %get3A_234 = tpu.vector_load %arg10[%get3A_233] {strides = array<i32>} : memref<512xi32, #tpu.memory_space<vmem>>, vector<16xi32>,
    %shift_right_logical3A_235 = arith.constant 4 : i32
    %shift_right_logical3A_236 = vector.broadcast %shift_right_logical3A_235 : i32 to vector<16xi32>
    %shift_right_logical3A_237 = arith.shrui %get3A_234, %shift_right_logical3A_236 : vector<16xi32>
    %swap3A_238 = arith.constant 3 : i32
    %swap3A_239 = arith.index_cast %swap3A_238 : i32 to index
    %swap3A_240 = arith.constant 16 : index
    %swap3A_241 = tpu.vector_load %arg9[%swap3A_239, %swap3A_240] {strides = array<i32>} : memref<4x128xi32, #tpu.memory_space<vmem>>, vector<16xi32>,
    tpu.vector_store %arg9[%swap3A_239, %swap3A_240], %shift_right_logical3A_237 {strides = array<i32>} : memref<4x128xi32, #tpu.memory_space<vmem>>, vector<16xi32>,
    %get3A_242 = arith.constant 416 : index
    %get3A_243 = tpu.vector_load %arg10[%get3A_242] {strides = array<i32>} : memref<512xi32, #tpu.memory_space<vmem>>, vector<16xi32>,
    %shift_right_logical3A_244 = arith.constant 4 : i32
    %shift_right_logical3A_245 = vector.broadcast %shift_right_logical3A_244 : i32 to vector<16xi32>
    %shift_right_logical3A_246 = arith.shrui %get3A_243, %shift_right_logical3A_245 : vector<16xi32>
    %swap3A_247 = arith.constant 3 : i32
    %swap3A_248 = arith.index_cast %swap3A_247 : i32 to index
    %swap3A_249 = arith.constant 32 : index
    %swap3A_250 = tpu.vector_load %arg9[%swap3A_248, %swap3A_249] {strides = array<i32>} : memref<4x128xi32, #tpu.memory_space<vmem>>, vector<16xi32>,
    tpu.vector_store %arg9[%swap3A_248, %swap3A_249], %shift_right_logical3A_246 {strides = array<i32>} : memref<4x128xi32, #tpu.memory_space<vmem>>, vector<16xi32>,
    %get3A_251 = arith.constant 432 : index
    %get3A_252 = tpu.vector_load %arg10[%get3A_251] {strides = array<i32>} : memref<512xi32, #tpu.memory_space<vmem>>, vector<16xi32>,
    %shift_right_logical3A_253 = arith.constant 4 : i32
    %shift_right_logical3A_254 = vector.broadcast %shift_right_logical3A_253 : i32 to vector<16xi32>
    %shift_right_logical3A_255 = arith.shrui %get3A_252, %shift_right_logical3A_254 : vector<16xi32>
    %swap3A_256 = arith.constant 3 : i32
    %swap3A_257 = arith.index_cast %swap3A_256 : i32 to index
    %swap3A_258 = arith.constant 48 : index
    %swap3A_259 = tpu.vector_load %arg9[%swap3A_257, %swap3A_258] {strides = array<i32>} : memref<4x128xi32, #tpu.memory_space<vmem>>, vector<16xi32>,
    tpu.vector_store %arg9[%swap3A_257, %swap3A_258], %shift_right_logical3A_255 {strides = array<i32>} : memref<4x128xi32, #tpu.memory_space<vmem>>, vector<16xi32>,
    %get3A_260 = arith.constant 448 : index
    %get3A_261 = tpu.vector_load %arg10[%get3A_260] {strides = array<i32>} : memref<512xi32, #tpu.memory_space<vmem>>, vector<16xi32>,
    %shift_right_logical3A_262 = arith.constant 4 : i32
    %shift_right_logical3A_263 = vector.broadcast %shift_right_logical3A_262 : i32 to vector<16xi32>
    %shift_right_logical3A_264 = arith.shrui %get3A_261, %shift_right_logical3A_263 : vector<16xi32>
    %swap3A_265 = arith.constant 3 : i32
    %swap3A_266 = arith.index_cast %swap3A_265 : i32 to index
    %swap3A_267 = arith.constant 64 : index
    %swap3A_268 = tpu.vector_load %arg9[%swap3A_266, %swap3A_267] {strides = array<i32>} : memref<4x128xi32, #tpu.memory_space<vmem>>, vector<16xi32>,
    tpu.vector_store %arg9[%swap3A_266, %swap3A_267], %shift_right_logical3A_264 {strides = array<i32>} : memref<4x128xi32, #tpu.memory_space<vmem>>, vector<16xi32>,
    %get3A_269 = arith.constant 464 : index
    %get3A_270 = tpu.vector_load %arg10[%get3A_269] {strides = array<i32>} : memref<512xi32, #tpu.memory_space<vmem>>, vector<16xi32>,
    %shift_right_logical3A_271 = arith.constant 4 : i32
    %shift_right_logical3A_272 = vector.broadcast %shift_right_logical3A_271 : i32 to vector<16xi32>
    %shift_right_logical3A_273 = arith.shrui %get3A_270, %shift_right_logical3A_272 : vector<16xi32>
    %swap3A_274 = arith.constant 3 : i32
    %swap3A_275 = arith.index_cast %swap3A_274 : i32 to index
    %swap3A_276 = arith.constant 80 : index
    %swap3A_277 = tpu.vector_load %arg9[%swap3A_275, %swap3A_276] {strides = array<i32>} : memref<4x128xi32, #tpu.memory_space<vmem>>, vector<16xi32>,
    tpu.vector_store %arg9[%swap3A_275, %swap3A_276], %shift_right_logical3A_273 {strides = array<i32>} : memref<4x128xi32, #tpu.memory_space<vmem>>, vector<16xi32>,
    %get3A_278 = arith.constant 480 : index
    %get3A_279 = tpu.vector_load %arg10[%get3A_278] {strides = array<i32>} : memref<512xi32, #tpu.memory_space<vmem>>, vector<16xi32>,
    %shift_right_logical3A_280 = arith.constant 4 : i32
    %shift_right_logical3A_281 = vector.broadcast %shift_right_logical3A_280 : i32 to vector<16xi32>
    %shift_right_logical3A_282 = arith.shrui %get3A_279, %shift_right_logical3A_281 : vector<16xi32>
    %swap3A_283 = arith.constant 3 : i32
    %swap3A_284 = arith.index_cast %swap3A_283 : i32 to index
    %swap3A_285 = arith.constant 96 : index
    %swap3A_286 = tpu.vector_load %arg9[%swap3A_284, %swap3A_285] {strides = array<i32>} : memref<4x128xi32, #tpu.memory_space<vmem>>, vector<16xi32>,
    tpu.vector_store %arg9[%swap3A_284, %swap3A_285], %shift_right_logical3A_282 {strides = array<i32>} : memref<4x128xi32, #tpu.memory_space<vmem>>, vector<16xi32>,
    %get3A_287 = arith.constant 496 : index
    %get3A_288 = tpu.vector_load %arg10[%get3A_287] {strides = array<i32>} : memref<512xi32, #tpu.memory_space<vmem>>, vector<16xi32>,
    %shift_right_logical3A_289 = arith.constant 4 : i32
    %shift_right_logical3A_290 = vector.broadcast %shift_right_logical3A_289 : i32 to vector<16xi32>
    %shift_right_logical3A_291 = arith.shrui %get3A_288, %shift_right_logical3A_290 : vector<16xi32>
    %swap3A_292 = arith.constant 3 : i32
    %swap3A_293 = arith.index_cast %swap3A_292 : i32 to index
    %swap3A_294 = arith.constant 112 : index
    %swap3A_295 = tpu.vector_load %arg9[%swap3A_293, %swap3A_294] {strides = array<i32>} : memref<4x128xi32, #tpu.memory_space<vmem>>, vector<16xi32>,
    tpu.vector_store %arg9[%swap3A_293, %swap3A_294], %shift_right_logical3A_291 {strides = array<i32>} : memref<4x128xi32, #tpu.memory_space<vmem>>, vector<16xi32>,
    %dma_start3A_296 = arith.constant 0 : i32
    %dma_start3A_297 = arith.constant 0 : i32
    %dma_start3A_298 = arith.constant 0 : i32
    %dma_start3A_299 = tpu.memref_slice %arg15[%dma_start3A_297, %dma_start3A_298] : memref<512x16xf32, #tpu.memory_space<vmem>> -> memref<128x16xf32, #tpu.memory_space<vmem>>
    %dma_start3A_300 = arith.constant 0 : i32
    %dma_start3A_301 = tpu.memref_slice %arg9[%dma_start3A_296, %dma_start3A_300] : memref<4x128xi32, #tpu.memory_space<vmem>> -> memref<1x128xi32, #tpu.memory_space<vmem>>
    %dma_start3A_302 = tpu.memref_squeeze %dma_start3A_301 : memref<1x128xi32, #tpu.memory_space<vmem>> -> memref<128xi32, #tpu.memory_space<vmem>>
    %dma_start3A_303 = arith.constant 0 : i32
    %dma_start3A_304 = arith.constant 0 : i32
    %dma_start3A_305 = tpu.memref_slice %arg7[%dma_start3A_303, %dma_start3A_304] : memref<63232x16xf32, #tpu.memory_space<hbm>> -> memref<63232x16xf32, #tpu.memory_space<hbm>>
    tpu.enqueue_indirect_dma source(%dma_start3A_305 : memref<63232x16xf32, #tpu.memory_space<hbm>>) target(%dma_start3A_299 : memref<128x16xf32, #tpu.memory_space<vmem>>) offsets(%dma_start3A_302 : memref<128xi32, #tpu.memory_space<vmem>>) semaphore(%arg19 : memref<!tpu.dma_semaphore, #tpu.memory_space<semaphore_mem>>)
    %dma_start3A_306 = arith.constant 1 : i32
    %dma_start3A_307 = arith.constant 128 : i32
    %dma_start3A_308 = arith.constant 0 : i32
    %dma_start3A_309 = tpu.memref_slice %arg15[%dma_start3A_307, %dma_start3A_308] : memref<512x16xf32, #tpu.memory_space<vmem>> -> memref<128x16xf32, #tpu.memory_space<vmem>>
    %dma_start3A_310 = arith.constant 0 : i32
    %dma_start3A_311 = tpu.memref_slice %arg9[%dma_start3A_306, %dma_start3A_310] : memref<4x128xi32, #tpu.memory_space<vmem>> -> memref<1x128xi32, #tpu.memory_space<vmem>>
    %dma_start3A_312 = tpu.memref_squeeze %dma_start3A_311 : memref<1x128xi32, #tpu.memory_space<vmem>> -> memref<128xi32, #tpu.memory_space<vmem>>
    %dma_start3A_313 = arith.constant 0 : i32
    %dma_start3A_314 = arith.constant 0 : i32
    %dma_start3A_315 = tpu.memref_slice %arg7[%dma_start3A_313, %dma_start3A_314] : memref<63232x16xf32, #tpu.memory_space<hbm>> -> memref<63232x16xf32, #tpu.memory_space<hbm>>
    tpu.enqueue_indirect_dma source(%dma_start3A_315 : memref<63232x16xf32, #tpu.memory_space<hbm>>) target(%dma_start3A_309 : memref<128x16xf32, #tpu.memory_space<vmem>>) offsets(%dma_start3A_312 : memref<128xi32, #tpu.memory_space<vmem>>) semaphore(%arg20 : memref<!tpu.dma_semaphore, #tpu.memory_space<semaphore_mem>>)
    %dma_start3A_316 = arith.constant 2 : i32
    %dma_start3A_317 = arith.constant 256 : i32
    %dma_start3A_318 = arith.constant 0 : i32
    %dma_start3A_319 = tpu.memref_slice %arg15[%dma_start3A_317, %dma_start3A_318] : memref<512x16xf32, #tpu.memory_space<vmem>> -> memref<128x16xf32, #tpu.memory_space<vmem>>
    %dma_start3A_320 = arith.constant 0 : i32
    %dma_start3A_321 = tpu.memref_slice %arg9[%dma_start3A_316, %dma_start3A_320] : memref<4x128xi32, #tpu.memory_space<vmem>> -> memref<1x128xi32, #tpu.memory_space<vmem>>
    %dma_start3A_322 = tpu.memref_squeeze %dma_start3A_321 : memref<1x128xi32, #tpu.memory_space<vmem>> -> memref<128xi32, #tpu.memory_space<vmem>>
    %dma_start3A_323 = arith.constant 0 : i32
    %dma_start3A_324 = arith.constant 0 : i32
    %dma_start3A_325 = tpu.memref_slice %arg7[%dma_start3A_323, %dma_start3A_324] : memref<63232x16xf32, #tpu.memory_space<hbm>> -> memref<63232x16xf32, #tpu.memory_space<hbm>>
    tpu.enqueue_indirect_dma source(%dma_start3A_325 : memref<63232x16xf32, #tpu.memory_space<hbm>>) target(%dma_start3A_319 : memref<128x16xf32, #tpu.memory_space<vmem>>) offsets(%dma_start3A_322 : memref<128xi32, #tpu.memory_space<vmem>>) semaphore(%arg21 : memref<!tpu.dma_semaphore, #tpu.memory_space<semaphore_mem>>)
    %dma_start3A_326 = arith.constant 3 : i32
    %dma_start3A_327 = arith.constant 384 : i32
    %dma_start3A_328 = arith.constant 0 : i32
    %dma_start3A_329 = tpu.memref_slice %arg15[%dma_start3A_327, %dma_start3A_328] : memref<512x16xf32, #tpu.memory_space<vmem>> -> memref<128x16xf32, #tpu.memory_space<vmem>>
    %dma_start3A_330 = arith.constant 0 : i32
    %dma_start3A_331 = tpu.memref_slice %arg9[%dma_start3A_326, %dma_start3A_330] : memref<4x128xi32, #tpu.memory_space<vmem>> -> memref<1x128xi32, #tpu.memory_space<vmem>>
    %dma_start3A_332 = tpu.memref_squeeze %dma_start3A_331 : memref<1x128xi32, #tpu.memory_space<vmem>> -> memref<128xi32, #tpu.memory_space<vmem>>
    %dma_start3A_333 = arith.constant 0 : i32
    %dma_start3A_334 = arith.constant 0 : i32
    %dma_start3A_335 = tpu.memref_slice %arg7[%dma_start3A_333, %dma_start3A_334] : memref<63232x16xf32, #tpu.memory_space<hbm>> -> memref<63232x16xf32, #tpu.memory_space<hbm>>
    tpu.enqueue_indirect_dma source(%dma_start3A_335 : memref<63232x16xf32, #tpu.memory_space<hbm>>) target(%dma_start3A_329 : memref<128x16xf32, #tpu.memory_space<vmem>>) offsets(%dma_start3A_332 : memref<128xi32, #tpu.memory_space<vmem>>) semaphore(%arg22 : memref<!tpu.dma_semaphore, #tpu.memory_space<semaphore_mem>>)
    %dma_wait3A_336 = tpu.memref_slice %arg3[%mul3A_2] : memref<16384xi32, #tpu.memory_space<hbm>> -> memref<512xi32, #tpu.memory_space<hbm>>
    %dma_wait3A_337 = tpu.memref_slice %arg3[%mul3A_2] : memref<16384xi32, #tpu.memory_space<hbm>> -> memref<512xi32, #tpu.memory_space<hbm>>
    tpu.wait_dma2 semaphore(%arg18 : memref<!tpu.dma_semaphore, #tpu.memory_space<semaphore_mem>>) src(%dma_wait3A_337 : memref<512xi32, #tpu.memory_space<hbm>>) dst(%arg11 : memref<512xi32, #tpu.memory_space<vmem>>)
    %dma_wait3A_338 = tpu.memref_slice %arg4[%mul3A_2] : memref<16384xi32, #tpu.memory_space<hbm>> -> memref<512xi32, #tpu.memory_space<hbm>>
    %dma_wait3A_339 = tpu.memref_slice %arg4[%mul3A_2] : memref<16384xi32, #tpu.memory_space<hbm>> -> memref<512xi32, #tpu.memory_space<hbm>>
    tpu.wait_dma2 semaphore(%arg18 : memref<!tpu.dma_semaphore, #tpu.memory_space<semaphore_mem>>) src(%dma_wait3A_339 : memref<512xi32, #tpu.memory_space<hbm>>) dst(%arg12 : memref<512xi32, #tpu.memory_space<vmem>>)
    %dma_wait3A_340 = tpu.memref_slice %arg5[%mul3A_2] : memref<16384xi32, #tpu.memory_space<hbm>> -> memref<512xi32, #tpu.memory_space<hbm>>
    %dma_wait3A_341 = tpu.memref_slice %arg5[%mul3A_2] : memref<16384xi32, #tpu.memory_space<hbm>> -> memref<512xi32, #tpu.memory_space<hbm>>
    tpu.wait_dma2 semaphore(%arg18 : memref<!tpu.dma_semaphore, #tpu.memory_space<semaphore_mem>>) src(%dma_wait3A_341 : memref<512xi32, #tpu.memory_space<hbm>>) dst(%arg13 : memref<512xi32, #tpu.memory_space<vmem>>)
    tpu.wait_dma2 semaphore(%arg18 : memref<!tpu.dma_semaphore, #tpu.memory_space<semaphore_mem>>) src(%arg6 : memref<160xf32, #tpu.memory_space<hbm>>) dst(%arg14 : memref<160xf32, #tpu.memory_space<vmem>>)
    %iota3A = tpu.iota {dimensions = array<i32: 0>} : vector<16xi32>
    %dma_wait3A_342 = arith.constant 0 : i32
    %dma_wait3A_343 = arith.constant 0 : i32
    %dma_wait3A_344 = arith.constant 0 : i32
    %dma_wait3A_345 = tpu.memref_slice %arg15[%dma_wait3A_343, %dma_wait3A_344] : memref<512x16xf32, #tpu.memory_space<vmem>> -> memref<128x16xf32, #tpu.memory_space<vmem>>
    %dma_wait3A_346 = arith.constant 0 : i32
    %dma_wait3A_347 = tpu.memref_slice %arg9[%dma_wait3A_342, %dma_wait3A_346] : memref<4x128xi32, #tpu.memory_space<vmem>> -> memref<1x128xi32, #tpu.memory_space<vmem>>
    %dma_wait3A_348 = tpu.memref_squeeze %dma_wait3A_347 : memref<1x128xi32, #tpu.memory_space<vmem>> -> memref<128xi32, #tpu.memory_space<vmem>>
    %dma_wait3A_349 = arith.constant 0 : i32
    %dma_wait3A_350 = arith.constant 0 : i32
    %dma_wait3A_351 = tpu.memref_slice %arg7[%dma_wait3A_349, %dma_wait3A_350] : memref<63232x16xf32, #tpu.memory_space<hbm>> -> memref<63232x16xf32, #tpu.memory_space<hbm>>
    tpu.wait_indirect_dma semaphore(%arg19 : memref<!tpu.dma_semaphore, #tpu.memory_space<semaphore_mem>>) src(%dma_wait3A_351 : memref<63232x16xf32, #tpu.memory_space<hbm>>) dst(%dma_wait3A_345 : memref<128x16xf32, #tpu.memory_space<vmem>>)
    %scan3A = arith.constant 0 : i32
    %scan3A_352 = arith.constant 0 : i32
    %scan3A_353 = arith.constant 8 : i32
    %scan3A_354 = arith.addi %scan3A_352, %scan3A_353 : i32
    %scan3A_355 = arith.constant 1 : i32
    scf.for %scan3A_405 = %scan3A_352 to %scan3A_354 step %scan3A_355  : i32 {
      %mul3A_406 = arith.constant 16 : i32
      %mul3A_407 = arith.muli %scan3A_405, %mul3A_406 : i32
      %add3A_408 = vector.broadcast %mul3A_407 : i32 to vector<16xi32>
      %add3A_409 = arith.addi %iota3A, %add3A_408 : vector<16xi32>
      %get3A_410 = arith.index_cast %mul3A_407 : i32 to index
      %get3A_411 = tpu.vector_load %arg10[%get3A_410] {strides = array<i32>} : memref<512xi32, #tpu.memory_space<vmem>>, vector<16xi32>,
      %and3A = arith.constant 15 : i32
      %and3A_412 = vector.broadcast %and3A : i32 to vector<16xi32>
      %and3A_413 = arith.andi %get3A_411, %and3A_412 : vector<16xi32>
      %gather3A = tpu.vector_load_idx %arg15[%add3A_409, %and3A_413] : memref<512x16xf32, #tpu.memory_space<vmem>>[vector<16xi32>, vector<16xi32>], vector<16xf32>,
      %get3A_414 = arith.index_cast %mul3A_407 : i32 to index
      %get3A_415 = tpu.vector_load %arg11[%get3A_414] {strides = array<i32>} : memref<512xi32, #tpu.memory_space<vmem>>, vector<16xi32>,
      %add3A_416 = arith.constant 0 : i32
      %add3A_417 = vector.broadcast %add3A_416 : i32 to vector<16xi32>
      %add3A_418 = arith.addi %get3A_415, %add3A_417 : vector<16xi32>
      %get3A_419 = arith.index_cast %mul3A_407 : i32 to index
      %get3A_420 = tpu.vector_load %arg12[%get3A_419] {strides = array<i32>} : memref<512xi32, #tpu.memory_space<vmem>>, vector<16xi32>,
      %add3A_421 = arith.constant 16 : i32
      %add3A_422 = vector.broadcast %add3A_421 : i32 to vector<16xi32>
      %add3A_423 = arith.addi %get3A_420, %add3A_422 : vector<16xi32>
      %get3A_424 = arith.index_cast %mul3A_407 : i32 to index
      %get3A_425 = tpu.vector_load %arg13[%get3A_424] {strides = array<i32>} : memref<512xi32, #tpu.memory_space<vmem>>, vector<16xi32>,
      %add3A_426 = arith.constant 48 : i32
      %add3A_427 = vector.broadcast %add3A_426 : i32 to vector<16xi32>
      %add3A_428 = arith.addi %get3A_425, %add3A_427 : vector<16xi32>
      %gather3A_429 = tpu.vector_load_idx %arg14[%add3A_418] : memref<160xf32, #tpu.memory_space<vmem>>[vector<16xi32>], vector<16xf32>,
      %add3A_430 = arith.addf %gather3A, %gather3A_429 : vector<16xf32>
      %gather3A_431 = tpu.vector_load_idx %arg14[%add3A_423] : memref<160xf32, #tpu.memory_space<vmem>>[vector<16xi32>], vector<16xf32>,
      %add3A_432 = arith.addf %add3A_430, %gather3A_431 : vector<16xf32>
      %gather3A_433 = tpu.vector_load_idx %arg14[%add3A_428] : memref<160xf32, #tpu.memory_space<vmem>>[vector<16xi32>], vector<16xf32>,
      %add3A_434 = arith.addf %add3A_432, %gather3A_433 : vector<16xf32>
      %swap3A_435 = arith.index_cast %mul3A_407 : i32 to index
      %swap3A_436 = tpu.vector_load %arg16[%swap3A_435] {strides = array<i32>} : memref<512xf32, #tpu.memory_space<vmem>>, vector<16xf32>,
      tpu.vector_store %arg16[%swap3A_435], %add3A_434 {strides = array<i32>} : memref<512xf32, #tpu.memory_space<vmem>>, vector<16xf32>,
    }
    %scan3A_356 = arith.constant 8 : i32
    %dma_wait3A_357 = arith.constant 1 : i32
    %dma_wait3A_358 = arith.constant 128 : i32
    %dma_wait3A_359 = arith.constant 0 : i32
    %dma_wait3A_360 = tpu.memref_slice %arg15[%dma_wait3A_358, %dma_wait3A_359] : memref<512x16xf32, #tpu.memory_space<vmem>> -> memref<128x16xf32, #tpu.memory_space<vmem>>
    %dma_wait3A_361 = arith.constant 0 : i32
    %dma_wait3A_362 = tpu.memref_slice %arg9[%dma_wait3A_357, %dma_wait3A_361] : memref<4x128xi32, #tpu.memory_space<vmem>> -> memref<1x128xi32, #tpu.memory_space<vmem>>
    %dma_wait3A_363 = tpu.memref_squeeze %dma_wait3A_362 : memref<1x128xi32, #tpu.memory_space<vmem>> -> memref<128xi32, #tpu.memory_space<vmem>>
    %dma_wait3A_364 = arith.constant 0 : i32
    %dma_wait3A_365 = arith.constant 0 : i32
    %dma_wait3A_366 = tpu.memref_slice %arg7[%dma_wait3A_364, %dma_wait3A_365] : memref<63232x16xf32, #tpu.memory_space<hbm>> -> memref<63232x16xf32, #tpu.memory_space<hbm>>
    tpu.wait_indirect_dma semaphore(%arg20 : memref<!tpu.dma_semaphore, #tpu.memory_space<semaphore_mem>>) src(%dma_wait3A_366 : memref<63232x16xf32, #tpu.memory_space<hbm>>) dst(%dma_wait3A_360 : memref<128x16xf32, #tpu.memory_space<vmem>>)
    %scan3A_367 = arith.constant 0 : i32
    %scan3A_368 = arith.constant 8 : i32
    %scan3A_369 = arith.constant 8 : i32
    %scan3A_370 = arith.addi %scan3A_368, %scan3A_369 : i32
    %scan3A_371 = arith.constant 1 : i32
    scf.for %scan3A_405 = %scan3A_368 to %scan3A_370 step %scan3A_371  : i32 {
      %mul3A_406 = arith.constant 16 : i32
      %mul3A_407 = arith.muli %scan3A_405, %mul3A_406 : i32
      %add3A_408 = vector.broadcast %mul3A_407 : i32 to vector<16xi32>
      %add3A_409 = arith.addi %iota3A, %add3A_408 : vector<16xi32>
      %get3A_410 = arith.index_cast %mul3A_407 : i32 to index
      %get3A_411 = tpu.vector_load %arg10[%get3A_410] {strides = array<i32>} : memref<512xi32, #tpu.memory_space<vmem>>, vector<16xi32>,
      %and3A = arith.constant 15 : i32
      %and3A_412 = vector.broadcast %and3A : i32 to vector<16xi32>
      %and3A_413 = arith.andi %get3A_411, %and3A_412 : vector<16xi32>
      %gather3A = tpu.vector_load_idx %arg15[%add3A_409, %and3A_413] : memref<512x16xf32, #tpu.memory_space<vmem>>[vector<16xi32>, vector<16xi32>], vector<16xf32>,
      %get3A_414 = arith.index_cast %mul3A_407 : i32 to index
      %get3A_415 = tpu.vector_load %arg11[%get3A_414] {strides = array<i32>} : memref<512xi32, #tpu.memory_space<vmem>>, vector<16xi32>,
      %add3A_416 = arith.constant 0 : i32
      %add3A_417 = vector.broadcast %add3A_416 : i32 to vector<16xi32>
      %add3A_418 = arith.addi %get3A_415, %add3A_417 : vector<16xi32>
      %get3A_419 = arith.index_cast %mul3A_407 : i32 to index
      %get3A_420 = tpu.vector_load %arg12[%get3A_419] {strides = array<i32>} : memref<512xi32, #tpu.memory_space<vmem>>, vector<16xi32>,
      %add3A_421 = arith.constant 16 : i32
      %add3A_422 = vector.broadcast %add3A_421 : i32 to vector<16xi32>
      %add3A_423 = arith.addi %get3A_420, %add3A_422 : vector<16xi32>
      %get3A_424 = arith.index_cast %mul3A_407 : i32 to index
      %get3A_425 = tpu.vector_load %arg13[%get3A_424] {strides = array<i32>} : memref<512xi32, #tpu.memory_space<vmem>>, vector<16xi32>,
      %add3A_426 = arith.constant 48 : i32
      %add3A_427 = vector.broadcast %add3A_426 : i32 to vector<16xi32>
      %add3A_428 = arith.addi %get3A_425, %add3A_427 : vector<16xi32>
      %gather3A_429 = tpu.vector_load_idx %arg14[%add3A_418] : memref<160xf32, #tpu.memory_space<vmem>>[vector<16xi32>], vector<16xf32>,
      %add3A_430 = arith.addf %gather3A, %gather3A_429 : vector<16xf32>
      %gather3A_431 = tpu.vector_load_idx %arg14[%add3A_423] : memref<160xf32, #tpu.memory_space<vmem>>[vector<16xi32>], vector<16xf32>,
      %add3A_432 = arith.addf %add3A_430, %gather3A_431 : vector<16xf32>
      %gather3A_433 = tpu.vector_load_idx %arg14[%add3A_428] : memref<160xf32, #tpu.memory_space<vmem>>[vector<16xi32>], vector<16xf32>,
      %add3A_434 = arith.addf %add3A_432, %gather3A_433 : vector<16xf32>
      %swap3A_435 = arith.index_cast %mul3A_407 : i32 to index
      %swap3A_436 = tpu.vector_load %arg16[%swap3A_435] {strides = array<i32>} : memref<512xf32, #tpu.memory_space<vmem>>, vector<16xf32>,
      tpu.vector_store %arg16[%swap3A_435], %add3A_434 {strides = array<i32>} : memref<512xf32, #tpu.memory_space<vmem>>, vector<16xf32>,
    }
    %scan3A_372 = arith.constant 8 : i32
    %dma_wait3A_373 = arith.constant 2 : i32
    %dma_wait3A_374 = arith.constant 256 : i32
    %dma_wait3A_375 = arith.constant 0 : i32
    %dma_wait3A_376 = tpu.memref_slice %arg15[%dma_wait3A_374, %dma_wait3A_375] : memref<512x16xf32, #tpu.memory_space<vmem>> -> memref<128x16xf32, #tpu.memory_space<vmem>>
    %dma_wait3A_377 = arith.constant 0 : i32
    %dma_wait3A_378 = tpu.memref_slice %arg9[%dma_wait3A_373, %dma_wait3A_377] : memref<4x128xi32, #tpu.memory_space<vmem>> -> memref<1x128xi32, #tpu.memory_space<vmem>>
    %dma_wait3A_379 = tpu.memref_squeeze %dma_wait3A_378 : memref<1x128xi32, #tpu.memory_space<vmem>> -> memref<128xi32, #tpu.memory_space<vmem>>
    %dma_wait3A_380 = arith.constant 0 : i32
    %dma_wait3A_381 = arith.constant 0 : i32
    %dma_wait3A_382 = tpu.memref_slice %arg7[%dma_wait3A_380, %dma_wait3A_381] : memref<63232x16xf32, #tpu.memory_space<hbm>> -> memref<63232x16xf32, #tpu.memory_space<hbm>>
    tpu.wait_indirect_dma semaphore(%arg21 : memref<!tpu.dma_semaphore, #tpu.memory_space<semaphore_mem>>) src(%dma_wait3A_382 : memref<63232x16xf32, #tpu.memory_space<hbm>>) dst(%dma_wait3A_376 : memref<128x16xf32, #tpu.memory_space<vmem>>)
    %scan3A_383 = arith.constant 0 : i32
    %scan3A_384 = arith.constant 16 : i32
    %scan3A_385 = arith.constant 8 : i32
    %scan3A_386 = arith.addi %scan3A_384, %scan3A_385 : i32
    %scan3A_387 = arith.constant 1 : i32
    scf.for %scan3A_405 = %scan3A_384 to %scan3A_386 step %scan3A_387  : i32 {
      %mul3A_406 = arith.constant 16 : i32
      %mul3A_407 = arith.muli %scan3A_405, %mul3A_406 : i32
      %add3A_408 = vector.broadcast %mul3A_407 : i32 to vector<16xi32>
      %add3A_409 = arith.addi %iota3A, %add3A_408 : vector<16xi32>
      %get3A_410 = arith.index_cast %mul3A_407 : i32 to index
      %get3A_411 = tpu.vector_load %arg10[%get3A_410] {strides = array<i32>} : memref<512xi32, #tpu.memory_space<vmem>>, vector<16xi32>,
      %and3A = arith.constant 15 : i32
      %and3A_412 = vector.broadcast %and3A : i32 to vector<16xi32>
      %and3A_413 = arith.andi %get3A_411, %and3A_412 : vector<16xi32>
      %gather3A = tpu.vector_load_idx %arg15[%add3A_409, %and3A_413] : memref<512x16xf32, #tpu.memory_space<vmem>>[vector<16xi32>, vector<16xi32>], vector<16xf32>,
      %get3A_414 = arith.index_cast %mul3A_407 : i32 to index
      %get3A_415 = tpu.vector_load %arg11[%get3A_414] {strides = array<i32>} : memref<512xi32, #tpu.memory_space<vmem>>, vector<16xi32>,
      %add3A_416 = arith.constant 0 : i32
      %add3A_417 = vector.broadcast %add3A_416 : i32 to vector<16xi32>
      %add3A_418 = arith.addi %get3A_415, %add3A_417 : vector<16xi32>
      %get3A_419 = arith.index_cast %mul3A_407 : i32 to index
      %get3A_420 = tpu.vector_load %arg12[%get3A_419] {strides = array<i32>} : memref<512xi32, #tpu.memory_space<vmem>>, vector<16xi32>,
      %add3A_421 = arith.constant 16 : i32
      %add3A_422 = vector.broadcast %add3A_421 : i32 to vector<16xi32>
      %add3A_423 = arith.addi %get3A_420, %add3A_422 : vector<16xi32>
      %get3A_424 = arith.index_cast %mul3A_407 : i32 to index
      %get3A_425 = tpu.vector_load %arg13[%get3A_424] {strides = array<i32>} : memref<512xi32, #tpu.memory_space<vmem>>, vector<16xi32>,
      %add3A_426 = arith.constant 48 : i32
      %add3A_427 = vector.broadcast %add3A_426 : i32 to vector<16xi32>
      %add3A_428 = arith.addi %get3A_425, %add3A_427 : vector<16xi32>
      %gather3A_429 = tpu.vector_load_idx %arg14[%add3A_418] : memref<160xf32, #tpu.memory_space<vmem>>[vector<16xi32>], vector<16xf32>,
      %add3A_430 = arith.addf %gather3A, %gather3A_429 : vector<16xf32>
      %gather3A_431 = tpu.vector_load_idx %arg14[%add3A_423] : memref<160xf32, #tpu.memory_space<vmem>>[vector<16xi32>], vector<16xf32>,
      %add3A_432 = arith.addf %add3A_430, %gather3A_431 : vector<16xf32>
      %gather3A_433 = tpu.vector_load_idx %arg14[%add3A_428] : memref<160xf32, #tpu.memory_space<vmem>>[vector<16xi32>], vector<16xf32>,
      %add3A_434 = arith.addf %add3A_432, %gather3A_433 : vector<16xf32>
      %swap3A_435 = arith.index_cast %mul3A_407 : i32 to index
      %swap3A_436 = tpu.vector_load %arg16[%swap3A_435] {strides = array<i32>} : memref<512xf32, #tpu.memory_space<vmem>>, vector<16xf32>,
      tpu.vector_store %arg16[%swap3A_435], %add3A_434 {strides = array<i32>} : memref<512xf32, #tpu.memory_space<vmem>>, vector<16xf32>,
    }
    %scan3A_388 = arith.constant 8 : i32
    %dma_wait3A_389 = arith.constant 3 : i32
    %dma_wait3A_390 = arith.constant 384 : i32
    %dma_wait3A_391 = arith.constant 0 : i32
    %dma_wait3A_392 = tpu.memref_slice %arg15[%dma_wait3A_390, %dma_wait3A_391] : memref<512x16xf32, #tpu.memory_space<vmem>> -> memref<128x16xf32, #tpu.memory_space<vmem>>
    %dma_wait3A_393 = arith.constant 0 : i32
    %dma_wait3A_394 = tpu.memref_slice %arg9[%dma_wait3A_389, %dma_wait3A_393] : memref<4x128xi32, #tpu.memory_space<vmem>> -> memref<1x128xi32, #tpu.memory_space<vmem>>
    %dma_wait3A_395 = tpu.memref_squeeze %dma_wait3A_394 : memref<1x128xi32, #tpu.memory_space<vmem>> -> memref<128xi32, #tpu.memory_space<vmem>>
    %dma_wait3A_396 = arith.constant 0 : i32
    %dma_wait3A_397 = arith.constant 0 : i32
    %dma_wait3A_398 = tpu.memref_slice %arg7[%dma_wait3A_396, %dma_wait3A_397] : memref<63232x16xf32, #tpu.memory_space<hbm>> -> memref<63232x16xf32, #tpu.memory_space<hbm>>
    tpu.wait_indirect_dma semaphore(%arg22 : memref<!tpu.dma_semaphore, #tpu.memory_space<semaphore_mem>>) src(%dma_wait3A_398 : memref<63232x16xf32, #tpu.memory_space<hbm>>) dst(%dma_wait3A_392 : memref<128x16xf32, #tpu.memory_space<vmem>>)
    %scan3A_399 = arith.constant 0 : i32
    %scan3A_400 = arith.constant 24 : i32
    %scan3A_401 = arith.constant 8 : i32
    %scan3A_402 = arith.addi %scan3A_400, %scan3A_401 : i32
    %scan3A_403 = arith.constant 1 : i32
    scf.for %scan3A_405 = %scan3A_400 to %scan3A_402 step %scan3A_403  : i32 {
      %mul3A_406 = arith.constant 16 : i32
      %mul3A_407 = arith.muli %scan3A_405, %mul3A_406 : i32
      %add3A_408 = vector.broadcast %mul3A_407 : i32 to vector<16xi32>
      %add3A_409 = arith.addi %iota3A, %add3A_408 : vector<16xi32>
      %get3A_410 = arith.index_cast %mul3A_407 : i32 to index
      %get3A_411 = tpu.vector_load %arg10[%get3A_410] {strides = array<i32>} : memref<512xi32, #tpu.memory_space<vmem>>, vector<16xi32>,
      %and3A = arith.constant 15 : i32
      %and3A_412 = vector.broadcast %and3A : i32 to vector<16xi32>
      %and3A_413 = arith.andi %get3A_411, %and3A_412 : vector<16xi32>
      %gather3A = tpu.vector_load_idx %arg15[%add3A_409, %and3A_413] : memref<512x16xf32, #tpu.memory_space<vmem>>[vector<16xi32>, vector<16xi32>], vector<16xf32>,
      %get3A_414 = arith.index_cast %mul3A_407 : i32 to index
      %get3A_415 = tpu.vector_load %arg11[%get3A_414] {strides = array<i32>} : memref<512xi32, #tpu.memory_space<vmem>>, vector<16xi32>,
      %add3A_416 = arith.constant 0 : i32
      %add3A_417 = vector.broadcast %add3A_416 : i32 to vector<16xi32>
      %add3A_418 = arith.addi %get3A_415, %add3A_417 : vector<16xi32>
      %get3A_419 = arith.index_cast %mul3A_407 : i32 to index
      %get3A_420 = tpu.vector_load %arg12[%get3A_419] {strides = array<i32>} : memref<512xi32, #tpu.memory_space<vmem>>, vector<16xi32>,
      %add3A_421 = arith.constant 16 : i32
      %add3A_422 = vector.broadcast %add3A_421 : i32 to vector<16xi32>
      %add3A_423 = arith.addi %get3A_420, %add3A_422 : vector<16xi32>
      %get3A_424 = arith.index_cast %mul3A_407 : i32 to index
      %get3A_425 = tpu.vector_load %arg13[%get3A_424] {strides = array<i32>} : memref<512xi32, #tpu.memory_space<vmem>>, vector<16xi32>,
      %add3A_426 = arith.constant 48 : i32
      %add3A_427 = vector.broadcast %add3A_426 : i32 to vector<16xi32>
      %add3A_428 = arith.addi %get3A_425, %add3A_427 : vector<16xi32>
      %gather3A_429 = tpu.vector_load_idx %arg14[%add3A_418] : memref<160xf32, #tpu.memory_space<vmem>>[vector<16xi32>], vector<16xf32>,
      %add3A_430 = arith.addf %gather3A, %gather3A_429 : vector<16xf32>
      %gather3A_431 = tpu.vector_load_idx %arg14[%add3A_423] : memref<160xf32, #tpu.memory_space<vmem>>[vector<16xi32>], vector<16xf32>,
      %add3A_432 = arith.addf %add3A_430, %gather3A_431 : vector<16xf32>
      %gather3A_433 = tpu.vector_load_idx %arg14[%add3A_428] : memref<160xf32, #tpu.memory_space<vmem>>[vector<16xi32>], vector<16xf32>,
      %add3A_434 = arith.addf %add3A_432, %gather3A_433 : vector<16xf32>
      %swap3A_435 = arith.index_cast %mul3A_407 : i32 to index
      %swap3A_436 = tpu.vector_load %arg16[%swap3A_435] {strides = array<i32>} : memref<512xf32, #tpu.memory_space<vmem>>, vector<16xf32>,
      tpu.vector_store %arg16[%swap3A_435], %add3A_434 {strides = array<i32>} : memref<512xf32, #tpu.memory_space<vmem>>, vector<16xf32>,
    }
    %scan3A_404 = arith.constant 8 : i32
    "tpu.region"() ({
      %run_scoped3A = tpu.sem_alloc : memref<!tpu.dma_semaphore, #tpu.memory_space<semaphore_mem>>
      %dma_start3A_405 = tpu.memref_slice %arg8[%mul3A_2] : memref<16384xf32, #tpu.memory_space<hbm>> -> memref<512xf32, #tpu.memory_space<hbm>>
      %dma_start3A_406 = tpu.memref_slice %arg8[%mul3A_2] : memref<16384xf32, #tpu.memory_space<hbm>> -> memref<512xf32, #tpu.memory_space<hbm>>
      tpu.enqueue_dma source(%arg16 : memref<512xf32, #tpu.memory_space<vmem>>) target(%dma_start3A_406 : memref<512xf32, #tpu.memory_space<hbm>>) target_semaphore(%run_scoped3A : memref<!tpu.dma_semaphore, #tpu.memory_space<semaphore_mem>>)
      %dma_wait3A_407 = tpu.memref_slice %arg8[%mul3A_2] : memref<16384xf32, #tpu.memory_space<hbm>> -> memref<512xf32, #tpu.memory_space<hbm>>
      %dma_wait3A_408 = tpu.memref_slice %arg8[%mul3A_2] : memref<16384xf32, #tpu.memory_space<hbm>> -> memref<512xf32, #tpu.memory_space<hbm>>
      tpu.wait_dma2 semaphore(%run_scoped3A : memref<!tpu.dma_semaphore, #tpu.memory_space<semaphore_mem>>) src(%arg16 : memref<512xf32, #tpu.memory_space<vmem>>) dst(%dma_wait3A_408 : memref<512xf32, #tpu.memory_space<hbm>>)
      tpu.yield
    }) : () -> ()
    return
  }
}

module attributes {stable_mosaic.version = 14 : i64} {
  func.func @_tc_mv_body(%arg0: i32, %arg1: memref<1x256xf32, #tpu.memory_space<vmem>>, %arg2: memref<64x26624xf32, #tpu.memory_space<vmem>>, %arg3: memref<64x137xf32, #tpu.memory_space<vmem>>, %arg4: memref<1x1xf32, #tpu.memory_space<vmem>>, %arg5: memref<1x26624xf32, #tpu.memory_space<vmem>>, %arg6: memref<1x160xf32, #tpu.memory_space<vmem>>) attributes {dimension_semantics = [#tpu.dimension_semantics<arbitrary>], iteration_bounds = array<i64: 38>, scalar_prefetch = 0 : i64, scratch_operands = 0 : i64, tpu.core_type = #tpu.core_type<tc>, window_params = [{pipeline_mode = #tpu.pipeline_mode<synchronous>, transform_indices = @transform_0, window_bounds = array<i64: 1, 256>}, {transform_indices = @transform_1, window_bounds = array<i64: 64, 26624>}, {pipeline_mode = #tpu.pipeline_mode<synchronous>, transform_indices = @transform_2, window_bounds = array<i64: 64, 137>}, {pipeline_mode = #tpu.pipeline_mode<synchronous>, transform_indices = @transform_3, window_bounds = array<i64: 1, 1>}, {transform_indices = @transform_4, window_bounds = array<i64: 1, 26624>}, {pipeline_mode = #tpu.pipeline_mode<synchronous>, transform_indices = @transform_5, window_bounds = array<i64: 1, 160>}]} {
    %get3A = arith.constant 0 : index
    %get3A_0 = arith.constant 64 : index
    %get3A_1 = vector.load %arg1[%get3A, %get3A_0] : memref<1x256xf32, #tpu.memory_space<vmem>>, vector<1x64xf32>
    %get3A_2 = arith.constant 0 : index
    %get3A_3 = arith.constant 0 : index
    %get3A_4 = vector.load %arg2[%get3A_2, %get3A_3] : memref<64x26624xf32, #tpu.memory_space<vmem>>, vector<64x26624xf32>
    %dot_general3A = arith.constant dense<0.000000e+00> : vector<1x26624xf32>
    %dot_general3A_5 = tpu.matmul %get3A_1, %get3A_4, %dot_general3A {dimension_numbers = #tpu.dot_dimension_numbers<[1], [0], [0], [1], [0, 0, 1, 1], [], []>, transpose_lhs_hint = false} : vector<1x64xf32>, vector<64x26624xf32>, vector<1x26624xf32> -> vector<1x26624xf32>
    %swap3A = arith.constant 0 : index
    %swap3A_6 = arith.constant 0 : index
    %swap3A_7 = vector.load %arg5[%swap3A, %swap3A_6] : memref<1x26624xf32, #tpu.memory_space<vmem>>, vector<1x26624xf32>
    tpu.vector_store %arg5[%swap3A, %swap3A_6], %dot_general3A_5 {strides = array<i32>} : memref<1x26624xf32, #tpu.memory_space<vmem>>, vector<1x26624xf32>,
    %eq3A = arith.constant 0 : i32
    %eq3A_8 = arith.cmpi eq, %arg0, %eq3A : i32
    %convert_element_type3A = arith.extui %eq3A_8 : i1 to i32
    %cond3A = arith.constant 0 : i32
    %cond3A_9 = arith.cmpi ne, %convert_element_type3A, %cond3A : i32
    scf.if %cond3A_9 {
      %get3A_10 = arith.constant 0 : index
      %get3A_11 = arith.constant 0 : index
      %get3A_12 = vector.load %arg1[%get3A_10, %get3A_11] : memref<1x256xf32, #tpu.memory_space<vmem>>, vector<1x64xf32>
      %get3A_13 = arith.constant 0 : index
      %get3A_14 = arith.constant 0 : index
      %get3A_15 = vector.load %arg3[%get3A_13, %get3A_14] : memref<64x137xf32, #tpu.memory_space<vmem>>, vector<64x5xf32>
      %dot_general3A_16 = arith.constant dense<0.000000e+00> : vector<1x5xf32>
      %dot_general3A_17 = tpu.matmul %get3A_12, %get3A_15, %dot_general3A_16 {dimension_numbers = #tpu.dot_dimension_numbers<[1], [0], [0], [1], [0, 0, 1, 1], [], []>, transpose_lhs_hint = false} : vector<1x64xf32>, vector<64x5xf32>, vector<1x5xf32> -> vector<1x5xf32>
      %swap3A_18 = arith.constant 0 : index
      %swap3A_19 = arith.constant 0 : index
      %swap3A_20 = vector.load %arg6[%swap3A_18, %swap3A_19] : memref<1x160xf32, #tpu.memory_space<vmem>>, vector<1x5xf32>
      tpu.vector_store %arg6[%swap3A_18, %swap3A_19], %dot_general3A_17 {strides = array<i32>} : memref<1x160xf32, #tpu.memory_space<vmem>>, vector<1x5xf32>,
      %get3A_21 = arith.constant 0 : index
      %get3A_22 = arith.constant 128 : index
      %get3A_23 = vector.load %arg1[%get3A_21, %get3A_22] : memref<1x256xf32, #tpu.memory_space<vmem>>, vector<1x64xf32>
      %get3A_24 = arith.constant 0 : index
      %get3A_25 = arith.constant 5 : index
      %get3A_26 = vector.load %arg3[%get3A_24, %get3A_25] : memref<64x137xf32, #tpu.memory_space<vmem>>, vector<64x31xf32>
      %dot_general3A_27 = arith.constant dense<0.000000e+00> : vector<1x31xf32>
      %dot_general3A_28 = tpu.matmul %get3A_23, %get3A_26, %dot_general3A_27 {dimension_numbers = #tpu.dot_dimension_numbers<[1], [0], [0], [1], [0, 0, 1, 1], [], []>, transpose_lhs_hint = false} : vector<1x64xf32>, vector<64x31xf32>, vector<1x31xf32> -> vector<1x31xf32>
      %swap3A_29 = arith.constant 0 : index
      %swap3A_30 = arith.constant 16 : index
      %swap3A_31 = vector.load %arg6[%swap3A_29, %swap3A_30] : memref<1x160xf32, #tpu.memory_space<vmem>>, vector<1x31xf32>
      tpu.vector_store %arg6[%swap3A_29, %swap3A_30], %dot_general3A_28 {strides = array<i32>} : memref<1x160xf32, #tpu.memory_space<vmem>>, vector<1x31xf32>,
      %get3A_32 = arith.constant 0 : index
      %get3A_33 = arith.constant 192 : index
      %get3A_34 = vector.load %arg1[%get3A_32, %get3A_33] : memref<1x256xf32, #tpu.memory_space<vmem>>, vector<1x64xf32>
      %get3A_35 = arith.constant 0 : index
      %get3A_36 = arith.constant 36 : index
      %get3A_37 = vector.load %arg3[%get3A_35, %get3A_36] : memref<64x137xf32, #tpu.memory_space<vmem>>, vector<64x101xf32>
      %dot_general3A_38 = arith.constant dense<0.000000e+00> : vector<1x101xf32>
      %dot_general3A_39 = tpu.matmul %get3A_34, %get3A_37, %dot_general3A_38 {dimension_numbers = #tpu.dot_dimension_numbers<[1], [0], [0], [1], [0, 0, 1, 1], [], []>, transpose_lhs_hint = false} : vector<1x64xf32>, vector<64x101xf32>, vector<1x101xf32> -> vector<1x101xf32>
      %get3A_40 = arith.constant 0 : index
      %get3A_41 = arith.constant 0 : index
      %get3A_42 = vector.load %arg4[%get3A_40, %get3A_41] : memref<1x1xf32, #tpu.memory_space<vmem>>, vector<1x1xf32>
      %get3A_43 = vector.extract %get3A_42[0, 0] : f32 from vector<1x1xf32>
      %add3A = vector.broadcast %get3A_43 : f32 to vector<1x101xf32>
      %add3A_44 = arith.addf %dot_general3A_39, %add3A : vector<1x101xf32>
      %swap3A_45 = arith.constant 0 : index
      %swap3A_46 = arith.constant 48 : index
      %swap3A_47 = vector.load %arg6[%swap3A_45, %swap3A_46] : memref<1x160xf32, #tpu.memory_space<vmem>>, vector<1x101xf32>
      tpu.vector_store %arg6[%swap3A_45, %swap3A_46], %add3A_44 {strides = array<i32>} : memref<1x160xf32, #tpu.memory_space<vmem>>, vector<1x101xf32>,
    } else {
    }
    return
  }
  func.func @transform_0(%arg0: i32) -> (i32, i32) {
    %c0_i32 = arith.constant 0 : i32
    %c0_i32_0 = arith.constant 0 : i32
    %c0_i32_1 = arith.constant 0 : i32
    return %c0_i32, %c0_i32_0 : i32, i32
  }
  func.func @transform_1(%arg0: i32) -> (i32, i32) {
    %c0_i32 = arith.constant 0 : i32
    %c0_i32_0 = arith.constant 0 : i32
    return %c0_i32, %arg0 : i32, i32
  }
  func.func @transform_2(%arg0: i32) -> (i32, i32) {
    %c0_i32 = arith.constant 0 : i32
    %c0_i32_0 = arith.constant 0 : i32
    %c0_i32_1 = arith.constant 0 : i32
    return %c0_i32, %c0_i32_0 : i32, i32
  }
  func.func @transform_3(%arg0: i32) -> (i32, i32) {
    %c0_i32 = arith.constant 0 : i32
    %c0_i32_0 = arith.constant 0 : i32
    %c0_i32_1 = arith.constant 0 : i32
    return %c0_i32, %c0_i32_0 : i32, i32
  }
  func.func @transform_4(%arg0: i32) -> (i32, i32) {
    %c0_i32 = arith.constant 0 : i32
    %c0_i32_0 = arith.constant 0 : i32
    return %c0_i32, %arg0 : i32, i32
  }
  func.func @transform_5(%arg0: i32) -> (i32, i32) {
    %c0_i32 = arith.constant 0 : i32
    %c0_i32_0 = arith.constant 0 : i32
    %c0_i32_1 = arith.constant 0 : i32
    return %c0_i32, %c0_i32_0 : i32, i32
  }
}

</mosaic_0001>

<sc_bundles>
// kernel: kernel.4.cloned.1.call-start
scs
__scs_entry_jumppad:
0x0: {  	(pc) =	sbr.rel $0x88, $3  }
0x1: {  	(tag) =	ssettag $0x0;
	lr =	simm.s32 $0x1  }
0x2: {  	[smem:$0x3F97] =	sst lr;
	_ =	strace $0xD0000000  }
0x3: {  	_ = 	snop  }
0x4: {  	_ = 	snop  }
0x5: {  	_ = 	snop  }
0x6: {  	_ = 	snop  }
0x7: {  	_ = 	snop  }
__scs_overlays_trampoline_lowered:
0x8: {  	[smem:$0x3FA6] =	sst s0  }
0x9: {  	[smem:$0x3FA7] =	sst s1  }
0xa: {  	[smem:$0x3FA8] =	sst s2  }
0xb: {  	[smem:$0x3FA9] =	sst s3  }
0xc: {  	[smem:$0x3FAA] =	sst s4  }
0xd: {  	[smem:$0x3FAB] =	sst s5  }
0xe: {  	[smem:$0x3FAC] =	sst s6  }
0xf: {  	[smem:$0x3FAD] =	sst s7  }
0x10: {  	[smem:$0x3FAE] =	sst s8  }
0x11: {  	[smem:$0x3FAF] =	sst s9;
	s0 =	simm.s32 @!p0 $0x0  }
0x12: {  	s1 =	sld [smem:$0x3F95];
	s0 =	simm.s32 @p0 $0x1  }
0x13: {  	[smem:$0x3FB0] =	sst s0;
	s0 =	simm.s32 @!p1 $0x0  }
0x14: {  	s2 =	sld [smem:$0x3F94];
	s0 =	simm.s32 @p1 $0x1  }
0x15: {  	[smem:$0x3FB1] =	sst s0;
	s0 =	simm.s32 @!p2 $0x0  }
0x16: {  	s3 =	sld [smem:$0x3FDB];
	s0 =	simm.s32 @p2 $0x1  }
0x17: {  	s4 =	simm.s32 $0x1BF5;
	[smem:$0x3FB3] =	sst s0  }
0x18: {  	s0 =	sld [smem:$0x3F96];
	_ =	swait.ge [sflag:s4], $0x0  }
0x19: {  	s7 =	sld [smem:$0x3F97]  }
0x1a: {  	s8 =	sadd.s32 $0xFFFFE003, lr  }
0x1b: {  	s9 =	sadd.s32 $0xFFFFFEF7, lr;
	s5 =	simm.s32 $0xFFFFFFFF;
	p2 =	slt.u32 s8, $0xFFFFF086  }
0x1c: {  	p1 =	slt.u32 s9, $0xF7A;
	s5 =	simm.s32 @!p2 $0x0  }
0x1d: {  	s5 =	simm.s32 @p1 $0x1;
	p0 =	seq.s32 s7, s2  }
0x1e: {  	s7 =	smul.u32 @!p0 $0xF7A, s2;
	p2 =	seq.s32 @!p0 s5, $0x0  }
0x1f: {  	s9 =	smul.u32 $0xF7A, s1;
	s8 =	simm.s32 @!p0 $0x1BF5;
	p2 =	por !p2, p0  }
0x20: {  	[sflag:s8] =	ssyncset.s32 @!p0 $0xFFFFF086;
	s6 =	sadd.s32 @!p0 s3, s7;
	s7 =	simm.s32 @!p0 $0x108  }
0x21: {  	s3 =	sadd.s32 s3, s9;
	s6 =	sadd.s32 @!p0 $0x88, s6;
	s7 =	simm.s32 @p2 $0x1082  }
0x22: {  	[simem:s7], [sflag:s8] =	dma.local @!p0 [hbm:s6], $0xF7A  }
0x23: {  	s9 =	sor.u32 $0xD0000000, s2;
	s6 =	simm.s32 $0x108;
	_ =	swait.ge @!p0 [sflag:s8], $0x0  }
0x24: {  	s3 =	sadd.s32 $0x88, s3;
	s6 =	simm.s32 @!p1 $0x1082;
	[sflag:s4] =	ssyncset.s32 $0xFFFFF086  }
0x25: {  	[simem:s6], [sflag:s4] =	dma.local [hbm:s3], $0xF7A  }
0x26: {  	[smem:$0x3F97] =	sst s1;
	(tag) =	ssettag s2;
	_ =	strace s9  }
0x27: {  	s1 =	sld [smem:$0x3FA7]  }
0x28: {  	s2 =	sld [smem:$0x3FA8]  }
0x29: {  	s4 =	sld [smem:$0x3FAA]  }
0x2a: {  	p0 =	seq.s32 s5, $0x0;
	s5 =	sld [smem:$0x3FAB]  }
0x2b: {  	s6 =	sld [smem:$0x3FAC]  }
0x2c: {  	s7 =	sld [smem:$0x3FAD]  }
0x2d: {  	s3 =	simm.s32 $0x108;
	s8 =	sld [smem:$0x3FAE]  }
0x2e: {  	s3 =	simm.s32 @!p0 $0x1082;
	s9 =	sld [smem:$0x3FAF]  }
0x2f: {  	lr =	sadd.s32 s0, s3;
	s0 =	sld [smem:$0x3FA6]  }
0x30: {  	s3 =	sld [smem:$0x3FA9]  }
0x31: {  	[smem:$0x3FB2] =	sst s10  }
0x32: {  	s10 =	sld [smem:$0x3FB0];
	_ =	sdelay $0x3  }
0x33: {  	p0 =	seq.s32 s10, $0x1;
	s10 =	sld [smem:$0x3FB2];
	_ =	sdelay $0x3  }
0x34: {  	[smem:$0x3FB2] =	sst s10  }
0x35: {  	s10 =	sld [smem:$0x3FB1];
	_ =	sdelay $0x3  }
0x36: {  	p1 =	seq.s32 s10, $0x1;
	s10 =	sld [smem:$0x3FB2];
	_ =	sdelay $0x3  }
0x37: {  	[smem:$0x3FB2] =	sst s10  }
0x38: {  	s10 =	sld [smem:$0x3FB3]  }
0x39: {  	_ = 	snop;
	(pc) =	sbr.ind lr, $3  }
0x3a: {  	_ = 	snop  }
0x3b: {  	_ = 	snop  }
0x3c: {  	p2 =	seq.s32 s10, $0x1;
	s10 =	sld [smem:$0x3FB2]  }
0x3d: {  	_ =	shalt  }
0x3e: {  	_ =	shalt  }
0x3f: {  	_ =	shalt  }
0x40: {  	_ =	shalt  }
0x41: {  	_ =	shalt  }
0x42: {  	_ =	shalt  }
0x43: {  	_ =	shalt  }
0x44: {  	_ =	shalt  }
0x45: {  	_ =	shalt  }
0x46: {  	_ =	shalt  }
0x47: {  	_ =	shalt  }
0x48: {  	_ =	shalt  }
0x49: {  	_ =	shalt  }
0x4a: {  	_ =	shalt  }
0x4b: {  	_ =	shalt  }
0x4c: {  	_ =	shalt  }
0x4d: {  	_ =	shalt  }
0x4e: {  	_ =	shalt  }
0x4f: {  	_ =	shalt  }
0x50: {  	_ =	shalt  }
0x51: {  	_ =	shalt  }
0x52: {  	_ =	shalt  }
0x53: {  	_ =	shalt  }
0x54: {  	_ =	shalt  }
0x55: {  	_ =	shalt  }
0x56: {  	_ =	shalt  }
0x57: {  	_ =	shalt  }
0x58: {  	_ =	shalt  }
0x59: {  	_ =	shalt  }
0x5a: {  	_ =	shalt  }
0x5b: {  	_ =	shalt  }
0x5c: {  	_ =	shalt  }
0x5d: {  	_ =	shalt  }
0x5e: {  	_ =	shalt  }
0x5f: {  	_ =	shalt  }
0x60: {  	_ =	shalt  }
0x61: {  	_ =	shalt  }
0x62: {  	_ =	shalt  }
0x63: {  	_ =	shalt  }
0x64: {  	_ =	shalt  }
0x65: {  	_ =	shalt  }
0x66: {  	_ =	shalt  }
0x67: {  	_ =	shalt  }
0x68: {  	_ =	shalt  }
0x69: {  	_ =	shalt  }
0x6a: {  	_ =	shalt  }
0x6b: {  	_ =	shalt  }
0x6c: {  	_ =	shalt  }
0x6d: {  	_ =	shalt  }
0x6e: {  	_ =	shalt  }
0x6f: {  	_ =	shalt  }
0x70: {  	_ =	shalt  }
0x71: {  	_ =	shalt  }
0x72: {  	_ =	shalt  }
0x73: {  	_ =	shalt  }
0x74: {  	_ =	shalt  }
0x75: {  	_ =	shalt  }
0x76: {  	_ =	shalt  }
0x77: {  	_ =	shalt  }
0x78: {  	_ =	shalt  }
0x79: {  	_ =	shalt  }
0x7a: {  	_ =	shalt  }
0x7b: {  	_ =	shalt  }
0x7c: {  	_ =	shalt  }
0x7d: {  	_ =	shalt  }
0x7e: {  	_ =	shalt  }
0x7f: {  	_ =	shalt  }
0x80: {  	_ =	shalt  }
0x81: {  	_ =	shalt  }
0x82: {  	_ =	shalt  }
0x83: {  	_ =	shalt  }
0x84: {  	_ =	shalt  }
0x85: {  	_ =	shalt  }
0x86: {  	_ =	shalt  }
0x87: {  	_ =	shalt  }
.Lfunc_end0:
.L_simem_size_0:
called_computation_lowered:
.L_overlay_start_0:
0x88: {  	s2 =	sld [smem:$0x3FD9]  }
0x89: {  	s3 =	sld [smem:$0x3FFE];
	_ =	sdelay $0x1  }
0x8a: {  	s1 =	srdreg.scid  }
0x8b: {  	s0 =	sand.u32 $0x1, s1  }
0x8c: {  	s17 =	sshll.u32 s0, $0xA;
	s2 =	sadd.s32 s3, s2  }
0x8d: {  	s2 =	sadd.s32 s2, s17  }
0x8e: {  	[smem:$0x3FBE] =	sst s2  }
0x8f: {  	_ = 	snop  }
0x90: {  	s2 =	sld [smem:$0x3FC9]  }
0x91: {  	s18 =	sld [smem:$0x3FC8]  }
0x92: {  	s4 =	sld [smem:$0x3FC7]  }
0x93: {  	s5 =	sld [smem:$0x3FC6]  }
0x94: {  	s6 =	sld [smem:$0x3FD0];
	(tm) =	ssettm $0x1  }
0x95: {  	s7 =	sld [smem:$0x3FFB];
	_ =	sdelay $0x3  }
0x96: {  	_ =	strace s7  }
0x97: {  	s7 =	sld [smem:$0x3FFC];
	_ =	sdelay $0x3  }
0x98: {  	_ =	strace s7  }
0x99: {  	s7 =	sld [smem:$0x3FFD];
	_ =	sdelay $0x3  }
0x9a: {  	_ =	strace s7  }
0x9b: {  	_ =	strace $0x8FFFFFFF  }
0x9c: {  	s19 =	sld [smem:$0x3FDB];
	_ =	sdelay $0x1  }
0x9d: {  	s8 =	simm.s32 $_scs_section_size  }
0x9e: {  	s9 =	simm.s32 $_size__tile_overlayer_lowered;
	s10 =	simm.s32 $_tile_overlayer_lowered  }
0x9f: {  	s22 =	simm.s32 $0x1BFF;
	s21 =	sshll.u32 s10, $0x1;
	s7 =	sadd.s32 s8, s19  }
0xa0: {  	s11 =	simm.s32 $0x0;
	s20 =	sshll.u32 s9, $0x1;
	s9 =	sadd.s32 s21, s7  }
0xa1: {  	[timem:s11], [sflag:s22] =	dma.local [hbm:s9], s20  }
0xa2: {  	_ =	swait.ge [sflag:s22], s20  }
0xa3: {  	s8 =	ssub.s32 $0x0, s20;
	[sflag:s22] =	ssyncset.done $0x0  }
0xa4: {  	[sflag:s22] =	ssyncadd.s32 s8;
	_ =	sdelay $0x1  }
0xa5: {  	s23 =	simm.s32 $0x1B8B  }
0xa6: {  	_ =	swait.ge [sflag:s23], $0x1  }
0xa7: {  	[sflag:s23] =	ssyncset.done $0x0  }
0xa8: {  	s25 =	simm.s32 $0x1B8E;
	s24 =	sld [smem:$0x3FFE];
	[sflag:s23] =	ssyncadd.s32 $0xFFFFFFFF  }
0xa9: {  	s26 =	simm.s32 $execute0_lowered;
	[smem:$0x3FD2] =	sst s25  }
0xaa: {  	s9 =	sshll.u32 s26, $0x1;
	_ =	strace $0x80000046;
	[dreg:$0x1] =	wrdreg $0xFFFFFFFF  }
0xab: {  	s28 =	simm.s32 $_size_execute0_lowered;
	s7 =	sadd.s32 s7, s9;
	[dreg:$0x0] =	wrdreg $0x0  }
0xac: {  	s9 =	sshll.u32 s28, $0x1;
	[dreg:$0x2] =	wrdreg s7  }
0xad: {  	[dreg:$0x3] =	wrdreg s9  }
0xae: {  	[dreg:$0x4] =	wrdreg $0xC0  }
0xaf: {  	_ =	task [dreg:s11], $0x5FFFF  }
0xb0: {  	[dreg:$0x1] =	wrdreg $0xFFFFFFFF  }
0xb1: {  	[dreg:$0x0] =	wrdreg $0x60  }
0xb2: {  	[dreg:$0x2] =	wrdreg s18  }
0xb3: {  	[dreg:$0x3] =	wrdreg s2  }
0xb4: {  	[dreg:$0x4] =	wrdreg s4  }
0xb5: {  	[dreg:$0x5] =	wrdreg s5  }
0xb6: {  	[dreg:$0x6] =	wrdreg s24  }
0xb7: {  	[dreg:$0x7] =	wrdreg s6  }
0xb8: {  	[dreg:$0x8] =	wrdreg $0x9  }
0xb9: {  	_ =	task.clear_ibuf [dreg:s11], $0x9FFFF;
	_ =	strace $0x90000046  }
0xba: {  	s29 =	simm.s32 $0x9;
	_ =	strace $0x80000048  }
0xbb: {  	_ =	swait.ge [sflag:s29], $0x1  }
0xbc: {  	[sflag:s29] =	ssyncadd.s32 $0xFFFFFFFF  }
0xbd: {  	_ =	strace $0x90000048  }
0xbe: {  	_ =	sfence  }
0xbf: {  	s30 =	sld [smem:$0x0];
	_ =	sdelay $0x2  }
0xc0: {  	s31 =	sshll.u32 s1, $0xD;
	s1 =	sshrl.u32 s1, $0x2  }
0xc1: {  	s3 =	sand.u32 $0x4000, s31;
	s1 =	sadd.s32 s1, s30  }
0xc2: {  	s0 =	sor.u32 s3, s0;
	s1 =	sshll.u32 s1, $0x11  }
0xc3: {  	s0 =	sor.u32 s1, s0  }
0xc4: {  	s0 =	sadd.s32 $0x8F2B, s0  }
0xc5: {  	[sflag:s0] =	ssyncadd.remote.s32 $0x1  }
0xc6: {  	_ =	sfence.sel $0xFFFF  }
0xc7: {  	[dreg:$0x0] =	wrdreg $0xFFFFFFFF;
	(pc) =	sbr.abs _section_cstart, $3  }
0xc8: {  	[dreg:$0x1] =	wrdreg $0xFFFFFFFF  }
0xc9: {  	_ =	task.clear_ibuf [dreg:s11], $0x2FFFF;
	_ =	strace $0x9FFFFFFF  }
0xca: {  	(tm) =	ssettm $0x7FFFFFFF  }
0xcb: {  	_ =	shalt  }
tec
execute0_lowered:
.L_overlay_start_1:
0x0: {  	(tag) =	ssettag $0x1  }
0x1: {  	s0 =	rddreg [dreg:$0x0]  }
0x2: {  	s2 =	rddreg [dreg:$0x1]  }
0x3: {  	s7 =	rddreg [dreg:$0x2]  }
0x4: {  	s8 =	rddreg [dreg:$0x3]  }
0x5: {  	s4 =	rddreg [dreg:$0x4]  }
0x6: {  	s9 =	rddreg [dreg:$0x5];
	s1 =	simm.s32 $0x0;
	s5 =	srdreg.scid  }
0x7: {  	s10 =	stileid.u32;
	s12 =	simm.s32 $0x1;
	s13 =	simm.s32 $0x80  }
0x8: {  	s14 =	simm.s32 $0xAA0;
	s17 =	simm.s32 $0x1AA0;
	s18 =	simm.s32 $0x180  }
0x9: {  	s19 =	simm.s32 $0x22A0;
	s20 =	simm.s32 $0x2;
	s21 =	simm.s32 $0x3  }
0xa: {  	s22 =	simm.s32 $0x4;
	s23 =	simm.s32 $0x5;
	s24 =	simm.s32 $0x6  }
0xb: {  	s25 =	simm.s32 $0x2AA0;
	s26 =	simm.s32 $0x7;
	s28 =	simm.s32 $0x0  }
0xc: {  	[smem:$0x7FF] =	sst s1;
	s3 =	sadd.s32 $0x1FA00, s4;
	s5 =	sand.u32 $0x1, s5  }
0xd: {  	s10 =	sshll.u32 s10, $0x7;
	s6 =	ssub.s32 $0x2, s5;
	s5 =	sshll.u32 s5, $0x6  }
0xe: {  	s4 =	sadd.s32 $0xC00, s4;
	s11 =	sshrl.u32 s6, $0x1;
	s10 =	sor.u32 s5, s10  }
0xf: {  	_ =	strace $0x80000047;
	s11 =	ssub.s32 s6, s11;
	s5 =	sadd.s32 s0, s10  }
0x10: {  	v0 =	vlaneseq.u32;
	s6 =	sadd.s32 s2, s10;
	s7 =	sadd.s32 s7, s10;
	s8 =	sadd.s32 s8, s10  }
0x11: {  	v0 =	vmul.u32 $0x10, v0;
	s9 =	sadd.s32 s9, s10;
	s10 =	smax.u32 s11, $0x1;
	s11 =	simm.s32 $0xA00  }
.LBB2_1:
0x12: {  	s0 =	simm.s32 $0x200  }
0x13: {  	[tilespmem:s0], [sflag:$0x1] =	stream.linear.gather [hbm4b:s5+s1], $0x200, $0x38;
	[tilespmem:$0x2CA0] =	vst v63  }
0x14: {  	s30 =	simm.s32 $0x400  }
0x15: {  	[tilespmem:s30], [sflag:$0x2] =	stream.linear.gather [hbm4b:s6+s1], $0x200, $0x38;
	[tilespmem:$0x2CA0] =	vst v63  }
0x16: {  	s31 =	simm.s32 $0x600  }
0x17: {  	[tilespmem:s31], [sflag:$0x2] =	stream.linear.gather [hbm4b:s7+s1], $0x200, $0x38;
	[tilespmem:$0x2CA0] =	vst v63  }
0x18: {  	s29 =	simm.s32 $0x800  }
0x19: {  	[tilespmem:s29], [sflag:$0x2] =	stream.linear.gather [hbm4b:s8+s1], $0x200, $0x38;
	[tilespmem:$0x2CA0] =	vst v63  }
0x1a: {  	_ = 	snop  }
0x1b: {  	[tilespmem:s11], [sflag:$0x2] =	stream.linear.gather [hbm4b:s3+s1], $0xA0, $0x38;
	[tilespmem:$0x2CA0] =	vst v63  }
0x1c: {  	_ =	swait.ge [sflag:s12], $0x200  }
0x1d: {  	[sflag:s12] =	ssyncset.done $0x0  }
0x1e: {  	[sflag:s12] =	ssyncadd.s32 $0xFFFFFE00  }
0x1f: {  	v1 =	vld [tilespmem:$0x200]  }
0x20: {  	v2 =	vld [tilespmem:$0x210]  }
0x21: {  	v3 =	vld [tilespmem:$0x220]  }
0x22: {  	v4 =	vld [tilespmem:$0x230]  }
0x23: {  	v5 =	vld [tilespmem:$0x240]  }
0x24: {  	v6 =	vld [tilespmem:$0x250];
	v1 =	vshrl.u32 v1, $0x4  }
0x25: {  	[tilespmem:$0x0] =	vst v1;
	v1 =	vshrl.u32 v2, $0x4;
	v2 =	vld [tilespmem:$0x260]  }
0x26: {  	[tilespmem:$0x10] =	vst v1;
	v1 =	vshrl.u32 v3, $0x4;
	v3 =	vld [tilespmem:$0x270]  }
0x27: {  	v46 =	vld [tilespmem:$0x280];
	[tilespmem:$0x20] =	vst v1;
	v1 =	vshrl.u32 v4, $0x4  }
0x28: {  	v47 =	vld [tilespmem:$0x290];
	[tilespmem:$0x30] =	vst v1;
	v1 =	vshrl.u32 v5, $0x4  }
0x29: {  	v48 =	vld [tilespmem:$0x2A0];
	[tilespmem:$0x40] =	vst v1;
	v1 =	vshrl.u32 v6, $0x4  }
0x2a: {  	[tilespmem:$0x50] =	vst v1;
	v1 =	vshrl.u32 v2, $0x4;
	v2 =	vld [tilespmem:$0x2B0]  }
0x2b: {  	[tilespmem:$0x60] =	vst v1;
	v1 =	vshrl.u32 v3, $0x4;
	v3 =	vld [tilespmem:$0x2C0]  }
0x2c: {  	v49 =	vld [tilespmem:$0x2D0];
	[tilespmem:$0x70] =	vst v1;
	v1 =	vshrl.u32 v46, $0x4  }
0x2d: {  	v50 =	vld [tilespmem:$0x2E0];
	[tilespmem:$0x80] =	vst v1;
	v1 =	vshrl.u32 v47, $0x4  }
0x2e: {  	v51 =	vld [tilespmem:$0x2F0];
	[tilespmem:$0x90] =	vst v1;
	v1 =	vshrl.u32 v48, $0x4  }
0x2f: {  	[tilespmem:$0xA0] =	vst v1;
	v1 =	vshrl.u32 v2, $0x4;
	v2 =	vld [tilespmem:$0x300]  }
0x30: {  	[tilespmem:$0xB0] =	vst v1;
	v1 =	vshrl.u32 v3, $0x4;
	v3 =	vld [tilespmem:$0x310]  }
0x31: {  	v52 =	vld [tilespmem:$0x320];
	[tilespmem:$0xC0] =	vst v1;
	v1 =	vshrl.u32 v49, $0x4  }
0x32: {  	v53 =	vld [tilespmem:$0x330];
	[tilespmem:$0xD0] =	vst v1;
	v1 =	vshrl.u32 v50, $0x4  }
0x33: {  	v54 =	vld [tilespmem:$0x340];
	[tilespmem:$0xE0] =	vst v1;
	v1 =	vshrl.u32 v51, $0x4  }
0x34: {  	[tilespmem:$0xF0] =	vst v1;
	v1 =	vshrl.u32 v2, $0x4;
	v2 =	vld [tilespmem:$0x350]  }
0x35: {  	[tilespmem:$0x100] =	vst v1;
	v1 =	vshrl.u32 v3, $0x4;
	v3 =	vld [tilespmem:$0x360]  }
0x36: {  	v55 =	vld [tilespmem:$0x370];
	[tilespmem:$0x110] =	vst v1;
	v1 =	vshrl.u32 v52, $0x4  }
0x37: {  	v56 =	vld [tilespmem:$0x380];
	[tilespmem:$0x120] =	vst v1;
	v1 =	vshrl.u32 v53, $0x4  }
0x38: {  	v57 =	vld [tilespmem:$0x390];
	[tilespmem:$0x130] =	vst v1;
	v1 =	vshrl.u32 v54, $0x4  }
0x39: {  	[tilespmem:$0x140] =	vst v1;
	v1 =	vshrl.u32 v2, $0x4;
	v2 =	vld [tilespmem:$0x3A0]  }
0x3a: {  	[tilespmem:$0x150] =	vst v1;
	v1 =	vshrl.u32 v3, $0x4;
	v3 =	vld [tilespmem:$0x3B0]  }
0x3b: {  	v58 =	vld [tilespmem:$0x3C0];
	[tilespmem:$0x160] =	vst v1;
	v1 =	vshrl.u32 v55, $0x4  }
0x3c: {  	v59 =	vld [tilespmem:$0x3D0];
	[tilespmem:$0x170] =	vst v1;
	v1 =	vshrl.u32 v56, $0x4  }
0x3d: {  	v60 =	vld [tilespmem:$0x3E0];
	[tilespmem:$0x180] =	vst v1;
	v1 =	vshrl.u32 v57, $0x4  }
0x3e: {  	[tilespmem:$0x190] =	vst v1;
	v1 =	vshrl.u32 v2, $0x4;
	v2 =	vld [tilespmem:$0x3F0]  }
0x3f: {  	[tilespmem:$0x1A0] =	vst v1;
	v1 =	vshrl.u32 v3, $0x4  }
0x40: {  	[tilespmem:$0x1B0] =	vst v1;
	v1 =	vshrl.u32 v58, $0x4  }
0x41: {  	[tilespmem:$0x1C0] =	vst v1;
	v1 =	vshrl.u32 v59, $0x4  }
0x42: {  	[tilespmem:$0x1D0] =	vst v1;
	v1 =	vshrl.u32 v60, $0x4  }
0x43: {  	[tilespmem:$0x1E0] =	vst v1;
	v1 =	vshrl.u32 v2, $0x4  }
0x44: {  	[tilespmem:$0x1F0] =	vst v1  }
0x45: {  	[tilespmem:s14], [sflag:$0x3] =	stream.indirect.gather [hbm4b:s4+s13], $0x10, s1, s13, $0xb8;
	[tilespmem:$0x2CA0] =	vst v63  }
0x46: {  	s2 =	simm.s32 $0x12A0  }
0x47: {  	[tilespmem:s2], [sflag:$0x4] =	stream.indirect.gather [hbm4b:s4+s13], $0x10, s13, s13, $0xb8;
	[tilespmem:$0x2CA0] =	vst v63  }
0x48: {  	s16 =	simm.s32 $0x100  }
0x49: {  	[tilespmem:s17], [sflag:$0x5] =	stream.indirect.gather [hbm4b:s4+s13], $0x10, s16, s13, $0xb8;
	[tilespmem:$0x2CA0] =	vst v63  }
0x4a: {  	_ = 	snop  }
0x4b: {  	[tilespmem:s19], [sflag:$0x6] =	stream.indirect.gather [hbm4b:s4+s13], $0x10, s18, s13, $0xb8;
	[tilespmem:$0x2CA0] =	vst v63  }
0x4c: {  	_ =	swait.ge [sflag:s20], $0x200  }
0x4d: {  	[sflag:s20] =	ssyncset.done $0x0  }
0x4e: {  	[sflag:s20] =	ssyncadd.s32 $0xFFFFFE00  }
0x4f: {  	_ =	swait.ge [sflag:s20], $0x200  }
0x50: {  	[sflag:s20] =	ssyncset.done $0x0  }
0x51: {  	[sflag:s20] =	ssyncadd.s32 $0xFFFFFE00  }
0x52: {  	_ =	swait.ge [sflag:s20], $0x200  }
0x53: {  	[sflag:s20] =	ssyncset.done $0x0  }
0x54: {  	[sflag:s20] =	ssyncadd.s32 $0xFFFFFE00  }
0x55: {  	_ =	swait.ge [sflag:s20], $0xA0  }
0x56: {  	[sflag:s20] =	ssyncset.done $0x0  }
0x57: {  	[sflag:s20] =	ssyncadd.s32 $0xFFFFFF60  }
0x58: {  	_ =	swait.ge [sflag:s21], $0x800  }
0x59: {  	[sflag:s21] =	ssyncset.done $0x0  }
0x5a: {  	[sflag:s21] =	ssyncadd.s32 $0xFFFFF800  }
0x5b: {  	v1 =	vld [tilespmem:s0+$0x0];
	_ =	sdelay $0x1  }
0x5c: {  	v2 =	vld [tilespmem:s30+$0x0]  }
0x5d: {  	v3 =	vmov s1;
	v61 =	vld [tilespmem:s31+$0x0]  }
0x5e: {  	v3 =	vshll.u32 v3, $0x4  }
0x5f: {  	v3 =	vor.u32 v0, v3;
	v62 =	vld [tilespmem:s29+$0x0];
	v1 =	vand.u32 $0xF, v1  }
0x60: {  	v1 =	vor.u32 v3, v1;
	_ =	sdelay $0x1  }
0x61: {  	v3 =	vadd.s32 $0x10, v61;
	_ =	sdelay $0x1  }
0x62: {  	v63 =	vadd.s32 $0x30, v62;
	v2 =	vld.idx.msk [tilespmem:v2+s11+$0x0], $0xffff  }
0x63: {  	v1 =	vld.idx.msk [tilespmem:v1+s14+$0x0], $0xffff;
	_ =	sdelay $0x1  }
0x64: {  	v3 =	vld.idx.msk [tilespmem:v3+s11+$0x0], $0xffff;
	_ =	sdelay $0x1  }
0x65: {  	v4 =	vld.idx.msk [tilespmem:v63+s11+$0x0], $0xffff  }
0x66: {  	v1 =	vadd.f32 v2, v1;
	_ =	sdelay $0x1  }
0x67: {  	v1 =	vadd.f32 v3, v1;
	_ =	sdelay $0x1  }
0x68: {  	v1 =	vadd.f32 v4, v1;
	_ =	sdelay $0x1  }
0x69: {  	s15 =	simm.s32 $0x210;
	[tilespmem:s25+$0x0] =	vst v1  }
0x6a: {  	s2 =	simm.s32 $0x10;
	s16 =	simm.s32 $0x20;
	s0 =	simm.s32 $0x2AA0;
	v1 =	vld [tilespmem:s15+$0x0]  }
.LBB2_2:
0x6b: {  	p0 =	sne.s32 s16, $0x70;
	s30 =	sadd.s32 $0x10, s30  }
0x6c: {  	s31 =	sadd.s32 $0x10, s31;
	v2 =	vld [tilespmem:s30+$0x0]  }
0x6d: {  	v3 =	vmov s2;
	s2 =	smov.u32 s16;
	v4 =	vld [tilespmem:s31+$0x0]  }
0x6e: {  	s29 =	sadd.s32 $0x10, s29;
	v3 =	vshll.u32 v3, $0x4  }
0x6f: {  	v3 =	vor.u32 v0, v3;
	v1 =	vand.u32 $0xF, v1;
	v5 =	vld [tilespmem:s29+$0x0]  }
0x70: {  	v1 =	vor.u32 v3, v1;
	_ =	sdelay $0x1  }
0x71: {  	v3 =	vadd.s32 $0x10, v4;
	_ =	sdelay $0x1  }
0x72: {  	v2 =	vld.idx.msk [tilespmem:v2+s11+$0x0], $0xffff;
	v4 =	vadd.s32 $0x30, v5  }
0x73: {  	v1 =	vld.idx.msk [tilespmem:v1+s14+$0x0], $0xffff;
	_ =	sdelay $0x1  }
0x74: {  	v3 =	vld.idx.msk [tilespmem:v3+s11+$0x0], $0xffff;
	_ =	sdelay $0x1  }
0x75: {  	v4 =	vld.idx.msk [tilespmem:v4+s11+$0x0], $0xffff;
	_ =	sdelay $0x1  }
0x76: {  	v1 =	vadd.f32 v2, v1;
	_ =	sdelay $0x1  }
0x77: {  	v1 =	vadd.f32 v3, v1  }
.Ltmp0:
0x78: {  	(pc) =	sbr.rel @p0 .LBB2_2-.Ltmp0, $4  }
0x79: {  	v1 =	vadd.f32 v4, v1  }
0x7a: {  	s0 =	sadd.s32 $0x10, s0  }
0x7b: {  	s15 =	sadd.s32 $0x10, s15;
	[tilespmem:s0+$0x0] =	vst v1  }
0x7c: {  	s16 =	sadd.s32 $0x10, s16;
	v1 =	vld [tilespmem:s15+$0x0]  }
0x7d: {  	s15 =	sadd.s32 $0x10, s30  }
0x7e: {  	s16 =	sadd.s32 $0x10, s31;
	v2 =	vld [tilespmem:s15+$0x0]  }
0x7f: {  	v3 =	vmov s2;
	v4 =	vld [tilespmem:s16+$0x0]  }
0x80: {  	v3 =	vshll.u32 v3, $0x4;
	s16 =	sadd.s32 $0x10, s29  }
0x81: {  	v3 =	vor.u32 v0, v3;
	v5 =	vld [tilespmem:s16+$0x0];
	v1 =	vand.u32 $0xF, v1  }
0x82: {  	v1 =	vor.u32 v3, v1;
	_ =	sdelay $0x1  }
0x83: {  	v3 =	vadd.s32 $0x10, v4;
	_ =	sdelay $0x1  }
0x84: {  	v60 =	vadd.s32 $0x30, v5;
	v2 =	vld.idx.msk [tilespmem:v2+s11+$0x0], $0xffff  }
0x85: {  	v1 =	vld.idx.msk [tilespmem:v1+s14+$0x0], $0xffff;
	_ =	sdelay $0x1  }
0x86: {  	v3 =	vld.idx.msk [tilespmem:v3+s11+$0x0], $0xffff;
	_ =	sdelay $0x1  }
0x87: {  	v4 =	vld.idx.msk [tilespmem:v60+s11+$0x0], $0xffff  }
0x88: {  	v1 =	vadd.f32 v2, v1;
	_ =	sdelay $0x1  }
0x89: {  	v1 =	vadd.f32 v3, v1;
	_ =	sdelay $0x1  }
0x8a: {  	v1 =	vadd.f32 v4, v1  }
0x8b: {  	s0 =	sadd.s32 $0x10, s0  }
0x8c: {  	[tilespmem:s0+$0x0] =	vst v1  }
0x8d: {  	_ =	swait.ge [sflag:s22], $0x800  }
0x8e: {  	[sflag:s22] =	ssyncset.done $0x0  }
0x8f: {  	s15 =	simm.s32 $0x280;
	[sflag:s22] =	ssyncadd.s32 $0xFFFFF800  }
0x90: {  	v1 =	vld [tilespmem:s15+$0x0]  }
0x91: {  	s0 =	simm.s32 $0x480  }
0x92: {  	s29 =	simm.s32 $0x680;
	s16 =	simm.s32 $0x80;
	v2 =	vld [tilespmem:s0+$0x0]  }
0x93: {  	v3 =	vmov s16;
	v61 =	vld [tilespmem:s29+$0x0]  }
0x94: {  	s30 =	simm.s32 $0x880;
	v3 =	vshll.u32 v3, $0x4  }
0x95: {  	v3 =	vor.u32 v0, v3;
	v62 =	vld [tilespmem:s30+$0x0];
	v1 =	vand.u32 $0xF, v1  }
0x96: {  	v1 =	vor.u32 v3, v1;
	_ =	sdelay $0x1  }
0x97: {  	v3 =	vadd.s32 $0x10, v61;
	_ =	sdelay $0x1  }
0x98: {  	v63 =	vadd.s32 $0x30, v62;
	v2 =	vld.idx.msk [tilespmem:v2+s11+$0x0], $0xffff  }
0x99: {  	v1 =	vld.idx.msk [tilespmem:v1+s14+$0x0], $0xffff;
	_ =	sdelay $0x1  }
0x9a: {  	v3 =	vld.idx.msk [tilespmem:v3+s11+$0x0], $0xffff;
	_ =	sdelay $0x1  }
0x9b: {  	v4 =	vld.idx.msk [tilespmem:v63+s11+$0x0], $0xffff  }
0x9c: {  	v1 =	vadd.f32 v2, v1;
	_ =	sdelay $0x1  }
0x9d: {  	v1 =	vadd.f32 v3, v1;
	_ =	sdelay $0x1  }
0x9e: {  	v1 =	vadd.f32 v4, v1  }
0x9f: {  	s31 =	simm.s32 $0x2B20  }
0xa0: {  	s15 =	simm.s32 $0x290;
	[tilespmem:s31+$0x0] =	vst v1  }
0xa1: {  	s2 =	simm.s32 $0x90;
	s16 =	simm.s32 $0xA0;
	v1 =	vld [tilespmem:s15+$0x0]  }
.LBB2_4:
0xa2: {  	p0 =	sne.s32 s16, $0xF0;
	s0 =	sadd.s32 $0x10, s0  }
0xa3: {  	s29 =	sadd.s32 $0x10, s29;
	v2 =	vld [tilespmem:s0+$0x0]  }
0xa4: {  	v3 =	vmov s2;
	s2 =	smov.u32 s16;
	v4 =	vld [tilespmem:s29+$0x0]  }
0xa5: {  	s30 =	sadd.s32 $0x10, s30;
	v3 =	vshll.u32 v3, $0x4  }
0xa6: {  	v3 =	vor.u32 v0, v3;
	v1 =	vand.u32 $0xF, v1;
	v5 =	vld [tilespmem:s30+$0x0]  }
0xa7: {  	v1 =	vor.u32 v3, v1;
	_ =	sdelay $0x1  }
0xa8: {  	v3 =	vadd.s32 $0x10, v4;
	_ =	sdelay $0x1  }
0xa9: {  	v2 =	vld.idx.msk [tilespmem:v2+s11+$0x0], $0xffff;
	v4 =	vadd.s32 $0x30, v5  }
0xaa: {  	v1 =	vld.idx.msk [tilespmem:v1+s14+$0x0], $0xffff;
	_ =	sdelay $0x1  }
0xab: {  	v3 =	vld.idx.msk [tilespmem:v3+s11+$0x0], $0xffff;
	_ =	sdelay $0x1  }
0xac: {  	v4 =	vld.idx.msk [tilespmem:v4+s11+$0x0], $0xffff;
	_ =	sdelay $0x1  }
0xad: {  	v1 =	vadd.f32 v2, v1;
	_ =	sdelay $0x1  }
0xae: {  	v1 =	vadd.f32 v3, v1  }
.Ltmp1:
0xaf: {  	(pc) =	sbr.rel @p0 .LBB2_4-.Ltmp1, $4  }
0xb0: {  	v1 =	vadd.f32 v4, v1  }
0xb1: {  	s31 =	sadd.s32 $0x10, s31  }
0xb2: {  	s15 =	sadd.s32 $0x10, s15;
	[tilespmem:s31+$0x0] =	vst v1  }
0xb3: {  	s16 =	sadd.s32 $0x10, s16;
	v1 =	vld [tilespmem:s15+$0x0]  }
0xb4: {  	s0 =	sadd.s32 $0x10, s0  }
0xb5: {  	s15 =	sadd.s32 $0x10, s29;
	v2 =	vld [tilespmem:s0+$0x0]  }
0xb6: {  	v3 =	vmov s2;
	v4 =	vld [tilespmem:s15+$0x0]  }
0xb7: {  	s16 =	sadd.s32 $0x10, s30;
	v3 =	vshll.u32 v3, $0x4  }
0xb8: {  	v5 =	vld [tilespmem:s16+$0x0];
	v3 =	vor.u32 v0, v3;
	v1 =	vand.u32 $0xF, v1  }
0xb9: {  	v1 =	vor.u32 v3, v1;
	_ =	sdelay $0x1  }
0xba: {  	v3 =	vadd.s32 $0x10, v4;
	_ =	sdelay $0x1  }
0xbb: {  	v60 =	vadd.s32 $0x30, v5;
	v2 =	vld.idx.msk [tilespmem:v2+s11+$0x0], $0xffff  }
0xbc: {  	v1 =	vld.idx.msk [tilespmem:v1+s14+$0x0], $0xffff;
	_ =	sdelay $0x1  }
0xbd: {  	v3 =	vld.idx.msk [tilespmem:v3+s11+$0x0], $0xffff;
	_ =	sdelay $0x1  }
0xbe: {  	v4 =	vld.idx.msk [tilespmem:v60+s11+$0x0], $0xffff  }
0xbf: {  	v1 =	vadd.f32 v2, v1;
	_ =	sdelay $0x1  }
0xc0: {  	v1 =	vadd.f32 v3, v1;
	_ =	sdelay $0x1  }
0xc1: {  	v1 =	vadd.f32 v4, v1  }
0xc2: {  	s2 =	sadd.s32 $0x10, s31  }
0xc3: {  	[tilespmem:s2+$0x0] =	vst v1  }
0xc4: {  	_ =	swait.ge [sflag:s23], $0x800  }
0xc5: {  	[sflag:s23] =	ssyncset.done $0x0  }
0xc6: {  	s15 =	simm.s32 $0x300;
	[sflag:s23] =	ssyncadd.s32 $0xFFFFF800  }
0xc7: {  	v1 =	vld [tilespmem:s15+$0x0]  }
0xc8: {  	s0 =	simm.s32 $0x500  }
0xc9: {  	s29 =	simm.s32 $0x700;
	s16 =	simm.s32 $0x100;
	v2 =	vld [tilespmem:s0+$0x0]  }
0xca: {  	v3 =	vmov s16;
	v61 =	vld [tilespmem:s29+$0x0]  }
0xcb: {  	s30 =	simm.s32 $0x900;
	v3 =	vshll.u32 v3, $0x4  }
0xcc: {  	v3 =	vor.u32 v0, v3;
	v62 =	vld [tilespmem:s30+$0x0];
	v1 =	vand.u32 $0xF, v1  }
0xcd: {  	v1 =	vor.u32 v3, v1;
	_ =	sdelay $0x1  }
0xce: {  	v3 =	vadd.s32 $0x10, v61;
	_ =	sdelay $0x1  }
0xcf: {  	v63 =	vadd.s32 $0x30, v62;
	v2 =	vld.idx.msk [tilespmem:v2+s11+$0x0], $0xffff  }
0xd0: {  	v1 =	vld.idx.msk [tilespmem:v1+s14+$0x0], $0xffff;
	_ =	sdelay $0x1  }
0xd1: {  	v3 =	vld.idx.msk [tilespmem:v3+s11+$0x0], $0xffff;
	_ =	sdelay $0x1  }
0xd2: {  	v4 =	vld.idx.msk [tilespmem:v63+s11+$0x0], $0xffff  }
0xd3: {  	v1 =	vadd.f32 v2, v1;
	_ =	sdelay $0x1  }
0xd4: {  	v1 =	vadd.f32 v3, v1;
	_ =	sdelay $0x1  }
0xd5: {  	v1 =	vadd.f32 v4, v1  }
0xd6: {  	s31 =	simm.s32 $0x2BA0  }
0xd7: {  	s15 =	simm.s32 $0x310;
	[tilespmem:s31+$0x0] =	vst v1  }
0xd8: {  	s16 =	simm.s32 $0x120;
	s2 =	simm.s32 $0x110;
	v1 =	vld [tilespmem:s15+$0x0]  }
.LBB2_6:
0xd9: {  	p0 =	sne.s32 s16, $0x170;
	s0 =	sadd.s32 $0x10, s0  }
0xda: {  	s29 =	sadd.s32 $0x10, s29;
	v2 =	vld [tilespmem:s0+$0x0]  }
0xdb: {  	v3 =	vmov s2;
	s2 =	smov.u32 s16;
	v4 =	vld [tilespmem:s29+$0x0]  }
0xdc: {  	s30 =	sadd.s32 $0x10, s30;
	v3 =	vshll.u32 v3, $0x4  }
0xdd: {  	v3 =	vor.u32 v0, v3;
	v1 =	vand.u32 $0xF, v1;
	v5 =	vld [tilespmem:s30+$0x0]  }
0xde: {  	v1 =	vor.u32 v3, v1;
	_ =	sdelay $0x1  }
0xdf: {  	v3 =	vadd.s32 $0x10, v4;
	_ =	sdelay $0x1  }
0xe0: {  	v2 =	vld.idx.msk [tilespmem:v2+s11+$0x0], $0xffff;
	v4 =	vadd.s32 $0x30, v5  }
0xe1: {  	v1 =	vld.idx.msk [tilespmem:v1+s14+$0x0], $0xffff;
	_ =	sdelay $0x1  }
0xe2: {  	v3 =	vld.idx.msk [tilespmem:v3+s11+$0x0], $0xffff;
	_ =	sdelay $0x1  }
0xe3: {  	v4 =	vld.idx.msk [tilespmem:v4+s11+$0x0], $0xffff;
	_ =	sdelay $0x1  }
0xe4: {  	v1 =	vadd.f32 v2, v1;
	_ =	sdelay $0x1  }
0xe5: {  	v1 =	vadd.f32 v3, v1  }
.Ltmp2:
0xe6: {  	(pc) =	sbr.rel @p0 .LBB2_6-.Ltmp2, $4  }
0xe7: {  	v1 =	vadd.f32 v4, v1  }
0xe8: {  	s31 =	sadd.s32 $0x10, s31  }
0xe9: {  	s15 =	sadd.s32 $0x10, s15;
	[tilespmem:s31+$0x0] =	vst v1  }
0xea: {  	s16 =	sadd.s32 $0x10, s16;
	v1 =	vld [tilespmem:s15+$0x0]  }
0xeb: {  	s0 =	sadd.s32 $0x10, s0  }
0xec: {  	s15 =	sadd.s32 $0x10, s29;
	v2 =	vld [tilespmem:s0+$0x0]  }
0xed: {  	v3 =	vmov s2;
	v4 =	vld [tilespmem:s15+$0x0]  }
0xee: {  	s16 =	sadd.s32 $0x10, s30;
	v3 =	vshll.u32 v3, $0x4  }
0xef: {  	v5 =	vld [tilespmem:s16+$0x0];
	v3 =	vor.u32 v0, v3;
	v1 =	vand.u32 $0xF, v1  }
0xf0: {  	v1 =	vor.u32 v3, v1;
	_ =	sdelay $0x1  }
0xf1: {  	v3 =	vadd.s32 $0x10, v4;
	_ =	sdelay $0x1  }
0xf2: {  	v60 =	vadd.s32 $0x30, v5;
	v2 =	vld.idx.msk [tilespmem:v2+s11+$0x0], $0xffff  }
0xf3: {  	v1 =	vld.idx.msk [tilespmem:v1+s14+$0x0], $0xffff;
	_ =	sdelay $0x1  }
0xf4: {  	v3 =	vld.idx.msk [tilespmem:v3+s11+$0x0], $0xffff;
	_ =	sdelay $0x1  }
0xf5: {  	v4 =	vld.idx.msk [tilespmem:v60+s11+$0x0], $0xffff  }
0xf6: {  	v1 =	vadd.f32 v2, v1;
	_ =	sdelay $0x1  }
0xf7: {  	v1 =	vadd.f32 v3, v1;
	_ =	sdelay $0x1  }
0xf8: {  	v1 =	vadd.f32 v4, v1  }
0xf9: {  	s2 =	sadd.s32 $0x10, s31  }
0xfa: {  	[tilespmem:s2+$0x0] =	vst v1  }
0xfb: {  	_ =	swait.ge [sflag:s24], $0x800  }
0xfc: {  	[sflag:s24] =	ssyncset.done $0x0  }
0xfd: {  	s15 =	simm.s32 $0x380;
	[sflag:s24] =	ssyncadd.s32 $0xFFFFF800  }
0xfe: {  	v1 =	vld [tilespmem:s15+$0x0]  }
0xff: {  	s0 =	simm.s32 $0x580  }
0x100: {  	s29 =	simm.s32 $0x780;
	s16 =	simm.s32 $0x180;
	v2 =	vld [tilespmem:s0+$0x0]  }
0x101: {  	v3 =	vmov s16;
	v61 =	vld [tilespmem:s29+$0x0]  }
0x102: {  	s30 =	simm.s32 $0x980;
	v3 =	vshll.u32 v3, $0x4  }
0x103: {  	v3 =	vor.u32 v0, v3;
	v62 =	vld [tilespmem:s30+$0x0];
	v1 =	vand.u32 $0xF, v1  }
0x104: {  	v1 =	vor.u32 v3, v1;
	_ =	sdelay $0x1  }
0x105: {  	v3 =	vadd.s32 $0x10, v61;
	_ =	sdelay $0x1  }
0x106: {  	v63 =	vadd.s32 $0x30, v62;
	v2 =	vld.idx.msk [tilespmem:v2+s11+$0x0], $0xffff  }
0x107: {  	v1 =	vld.idx.msk [tilespmem:v1+s14+$0x0], $0xffff;
	_ =	sdelay $0x1  }
0x108: {  	v3 =	vld.idx.msk [tilespmem:v3+s11+$0x0], $0xffff;
	_ =	sdelay $0x1  }
0x109: {  	v4 =	vld.idx.msk [tilespmem:v63+s11+$0x0], $0xffff  }
0x10a: {  	v1 =	vadd.f32 v2, v1;
	_ =	sdelay $0x1  }
0x10b: {  	v1 =	vadd.f32 v3, v1;
	_ =	sdelay $0x1  }
0x10c: {  	v1 =	vadd.f32 v4, v1  }
0x10d: {  	s31 =	simm.s32 $0x2C20  }
0x10e: {  	s15 =	simm.s32 $0x390;
	[tilespmem:s31+$0x0] =	vst v1  }
0x10f: {  	s16 =	simm.s32 $0x1A0;
	s2 =	simm.s32 $0x190;
	v1 =	vld [tilespmem:s15+$0x0]  }
.LBB2_8:
0x110: {  	p0 =	sne.s32 s16, $0x1F0;
	s0 =	sadd.s32 $0x10, s0  }
0x111: {  	s29 =	sadd.s32 $0x10, s29;
	v2 =	vld [tilespmem:s0+$0x0]  }
0x112: {  	v3 =	vmov s2;
	s2 =	smov.u32 s16;
	v4 =	vld [tilespmem:s29+$0x0]  }
0x113: {  	s30 =	sadd.s32 $0x10, s30;
	v3 =	vshll.u32 v3, $0x4  }
0x114: {  	v3 =	vor.u32 v0, v3;
	v1 =	vand.u32 $0xF, v1;
	v5 =	vld [tilespmem:s30+$0x0]  }
0x115: {  	v1 =	vor.u32 v3, v1;
	_ =	sdelay $0x1  }
0x116: {  	v3 =	vadd.s32 $0x10, v4;
	_ =	sdelay $0x1  }
0x117: {  	v2 =	vld.idx.msk [tilespmem:v2+s11+$0x0], $0xffff;
	v4 =	vadd.s32 $0x30, v5  }
0x118: {  	v1 =	vld.idx.msk [tilespmem:v1+s14+$0x0], $0xffff;
	_ =	sdelay $0x1  }
0x119: {  	v3 =	vld.idx.msk [tilespmem:v3+s11+$0x0], $0xffff;
	_ =	sdelay $0x1  }
0x11a: {  	v4 =	vld.idx.msk [tilespmem:v4+s11+$0x0], $0xffff;
	_ =	sdelay $0x1  }
0x11b: {  	v1 =	vadd.f32 v2, v1;
	_ =	sdelay $0x1  }
0x11c: {  	v1 =	vadd.f32 v3, v1  }
.Ltmp3:
0x11d: {  	(pc) =	sbr.rel @p0 .LBB2_8-.Ltmp3, $4  }
0x11e: {  	v1 =	vadd.f32 v4, v1  }
0x11f: {  	s31 =	sadd.s32 $0x10, s31  }
0x120: {  	s15 =	sadd.s32 $0x10, s15;
	[tilespmem:s31+$0x0] =	vst v1  }
0x121: {  	s16 =	sadd.s32 $0x10, s16;
	v1 =	vld [tilespmem:s15+$0x0]  }
0x122: {  	s0 =	sadd.s32 $0x10, s0  }
0x123: {  	s29 =	sadd.s32 $0x10, s29;
	v2 =	vld [tilespmem:s0+$0x0]  }
0x124: {  	v3 =	vmov s2;
	v4 =	vld [tilespmem:s29+$0x0]  }
0x125: {  	s30 =	sadd.s32 $0x10, s30;
	v3 =	vshll.u32 v3, $0x4  }
0x126: {  	v5 =	vld [tilespmem:s30+$0x0];
	v3 =	vor.u32 v0, v3;
	v1 =	vand.u32 $0xF, v1  }
0x127: {  	v1 =	vor.u32 v3, v1;
	_ =	sdelay $0x1  }
0x128: {  	v3 =	vadd.s32 $0x10, v4;
	_ =	sdelay $0x1  }
0x129: {  	v63 =	vadd.s32 $0x30, v5;
	v2 =	vld.idx.msk [tilespmem:v2+s11+$0x0], $0xffff  }
0x12a: {  	v1 =	vld.idx.msk [tilespmem:v1+s14+$0x0], $0xffff;
	_ =	sdelay $0x1  }
0x12b: {  	v3 =	vld.idx.msk [tilespmem:v3+s11+$0x0], $0xffff;
	_ =	sdelay $0x1  }
0x12c: {  	v4 =	vld.idx.msk [tilespmem:v63+s11+$0x0], $0xffff  }
0x12d: {  	v1 =	vadd.f32 v2, v1;
	_ =	sdelay $0x1  }
0x12e: {  	v1 =	vadd.f32 v3, v1;
	_ =	sdelay $0x1  }
0x12f: {  	s28 =	sadd.s32 $0x1, s28;
	v1 =	vadd.f32 v4, v1  }
0x130: {  	s31 =	sadd.s32 $0x10, s31;
	p0 =	sne.s32 s28, s10  }
.Ltmp4:
0x131: {  	[tilespmem:s31+$0x0] =	vst v1;
	(pc) =	sbr.rel @p0 .LBB2_1-.Ltmp4, $4  }
0x132: {  	[hbm4b:s9+s1] =	stream.linear.scatter [tilespmem:s25], [sflag:$0x7], $0x200, $0x38;
	[tilespmem:$0x2CA0] =	vst v63  }
0x133: {  	_ =	swait.ge [sflag:s26], $0x200  }
0x134: {  	[sflag:s26] =	ssyncset.done $0x0  }
0x135: {  	[sflag:s26] =	ssyncadd.s32 $0xFFFFFE00  }
0x136: {  	_ =	sfence.sel $0x180000  }
0x137: {  	[bflag:$0x0] =	sbarrier.arrive $0xFFFF  }
0x138: {  	_ =	strace $0x90000047  }
0x139: {  	s0 =	stileid.u32;
	[bflag:$0x2] =	sbarrier.arrive $0xFFFF  }
0x13a: {  	p0 =	sne.s32 s0, $0x0;
	s0 =	rddreg [dreg:$0x6]  }
0x13b: {  	s0 =	sadd.s32 @!p0 $0x100000, s0  }
0x13c: {  	[sflag:s0] =	ssyncadd.tile.s32 @!p0 $0x1;
	_ =	shalt  }
.Lfunc_end2:
_tile_overlayer_lowered:
.L_overlay_start_2:
0x13d: {  	(tag) =	ssettag $0x2  }
0x13e: {  	s0 =	rddreg [dreg:$0x0];
	s2 =	stileid.u32  }
0x13f: {  	s1 =	rddreg [dreg:$0x1];
	p0 =	sne.s32 s2, $0x0  }
0x140: {  	s3 =	rddreg [dreg:$0x2];
	[bflag:$0x3] =	sbarrier.arrive $0xFFFF;
	s2 =	simm.s32 @!p0 $0x1C07  }
0x141: {  	[timem:s3], [sflag:s2] =	dma.local @!p0 [hbm:s0], s1  }
0x142: {  	s0 =	simm.s32 @!p0 $0x7  }
0x143: {  	_ =	swait.ge @!p0 [sflag:s0], s1  }
0x144: {  	s1 =	ssub.s32 @!p0 $0x0, s1;
	[sflag:s0] =	ssyncset.done @!p0 $0x0  }
0x145: {  	[sflag:s0] =	ssyncadd.s32 @!p0 s1  }
0x146: {  	[bflag:$0x3] =	sbarrier.arrive $0xFFFF  }
0x147: {  	_ =	shalt  }

</sc_bundles>
